<compile_context>
chip_gen: v7x
topology: tpu7x:2x2x1
jax: 0.10.2.dev20260603
libtpu: 0.0.44.dev20260713+nightly
codegen_flags: <defaults>
</compile_context>

<pallas_src>
import functools

import jax
import jax.numpy as jnp
from jax import lax
from jax.experimental import pallas as pl
from jax.experimental.pallas import tpu as pltpu
from jax.experimental.pallas import tpu_sc as plsc

NBUF = 4
CHUNK = 8
NBSC = 2
B, A, D = 16, 50000, 8
STRIP = 6272
CH = 1536


def _tc_body(lp_hbm, lt_hbm, x_ref, y_ref, out_ref, pt_ref,
             lpb, ltb, pos_ref, lpw, ltw, sems):
    a = y_ref.shape[1]
    nchunks = (B - NBSC) * D // CHUNK

    def _copies(c, slot):
        return [
            pltpu.make_async_copy(
                lp_hbm.at[pl.ds(c * CHUNK, CHUNK), :], lpb.at[slot],
                sems.at[slot, 0]),
            pltpu.make_async_copy(
                lt_hbm.at[pl.ds(c * CHUNK, CHUNK), :], ltb.at[slot],
                sems.at[slot, 1]),
        ]

    def start(c, slot):
        for cp in _copies(c, slot):
            cp.start()

    def wait(c, slot):
        for cp in _copies(c, slot):
            cp.wait()

    for c in range(min(NBUF, nchunks)):
        start(c, c)

    y = y_ref[...]
    lane = lax.broadcasted_iota(jnp.int32, y.shape, 1)
    valid = lane < a
    t = (valid & (y == 1)).astype(jnp.float32)
    pos = (valid & (y > 0)).astype(jnp.float32)
    x = x_ref[...].reshape(y.shape)
    z = 2.0 * x * (2.0 * t - 1.0) + 1.0
    neg_logpt = jnp.log(1.0 + jnp.exp(-jnp.abs(z))) - jnp.minimum(z, 0.0)
    w = 0.75 - 0.5 * t
    cls_elem = jnp.where(valid & (y > -1), w * neg_logpt, 0.0)
    cls_sum = 0.5 * jnp.sum(cls_elem)
    np_sum = jnp.sum(pos)
    pos3 = pos.reshape(pos_ref.shape)
    pos_ref[...] = pos3
    pt_ref[...] = pos3[B - NBSC:]

    def chunk_body(c, acc):
        slot = lax.rem(c, NBUF)
        wait(c, slot)
        d = lpb[slot] - ltb[slot]
        nxt = c + NBUF

        @pl.when(nxt < nchunks)
        def _():
            start(nxt, lax.rem(nxt, NBUF))

        ad = jnp.abs(d)
        q = jnp.minimum(ad, 1.0)
        sl1 = q * (ad - 0.5 * q)
        rs = jnp.sum(sl1.reshape(-1, D, a), axis=1)
        lane1 = lax.broadcasted_iota(jnp.int32, rs.shape, 1)
        rs = jnp.where(lane1 < a, rs, 0.0)
        bb = rs.shape[0]
        pr = pos_ref[pl.ds(c * bb, bb), 0, :]
        return acc + jnp.sum(rs * pr)

    loc_sum = lax.fori_loop(0, nchunks, chunk_body, 0.0, unroll=False)

    w0 = (a // 128) * 128
    cw1 = pltpu.make_async_copy(
        lp_hbm.at[pl.ds((B - NBSC) * D, NBSC * D), pl.ds(w0, a - w0)],
        lpw, sems.at[0, 2])
    cw2 = pltpu.make_async_copy(
        lt_hbm.at[pl.ds((B - NBSC) * D, NBSC * D), pl.ds(w0, a - w0)],
        ltw, sems.at[1, 2])
    cw1.start()
    cw2.start()
    cw1.wait()
    cw2.wait()
    dw = lpw[...] - ltw[...]
    adw = jnp.abs(dw)
    qw = jnp.minimum(adw, 1.0)
    sw = qw * (adw - 0.5 * qw)
    rsw = jnp.sum(sw.reshape(NBSC, D, a - w0), axis=1)
    posw = pos_ref[pl.ds(B - NBSC, NBSC), 0, pl.ds(w0, a - w0)]
    loc_sum = loc_sum + jnp.sum(rsw * posw)

    out_ref[0] = loc_sum
    out_ref[1] = cls_sum
    out_ref[2] = np_sum


def _tail_body(rs_ref, pt_ref, out_ref):
    rs = rs_ref[...]
    pt = pt_ref[...]
    lane = lax.broadcasted_iota(jnp.int32, rs.shape, 2)
    out_ref[0] = jnp.sum(jnp.where(lane < (A // 128) * 128, rs * pt, 0.0))


def _sc_worker_math(bufp, buft, accv, ch, nvec):
    def vbody(vi, _):
        acc = jnp.zeros((16,), jnp.float32)
        for dd in range(D):
            dv = bufp[dd, pl.ds(vi * 16, 16)] - buft[dd, pl.ds(vi * 16, 16)]
            ad = jnp.abs(dv)
            q = jnp.minimum(ad, 1.0)
            acc = acc + q * (ad - 0.5 * q)
        accv[0, pl.ds(vi * 16, 16)] = acc
        return 0

    lax.fori_loop(0, nvec, vbody, 0)


def _sc_chunk(lp_hbm, lt_hbm, out_hbm, bufp, buft, accv, sem1, sem2,
              row0, bi, off, ch):
    row0 = pl.multiple_of(row0, 8)
    off = pl.multiple_of(off, 128)
    c1 = pltpu.async_copy(
        lp_hbm.at[pl.ds(row0, D), pl.ds(off, ch)],
        bufp.at[:, pl.ds(0, ch)], sem1)
    c2 = pltpu.async_copy(
        lt_hbm.at[pl.ds(row0, D), pl.ds(off, ch)],
        buft.at[:, pl.ds(0, ch)], sem2)
    c1.wait()
    c2.wait()
    _sc_worker_math(bufp, buft, accv, ch, ch // 16)
    pltpu.sync_copy(accv.at[:, pl.ds(0, ch)], out_hbm.at[bi, :, pl.ds(off, ch)])


def _make_sc(info):
    scmesh = plsc.VectorSubcoreMesh(core_axis_name="c", subcore_axis_name="s")

    @functools.partial(
        pl.kernel, mesh=scmesh,
        out_type=jax.ShapeDtypeStruct((NBSC, 1, A), jnp.float32),
        scratch_types=[
            pltpu.VMEM((D, CH), jnp.float32),
            pltpu.VMEM((D, CH), jnp.float32),
            pltpu.VMEM((1, CH), jnp.float32),
            pltpu.SemaphoreType.DMA,
            pltpu.SemaphoreType.DMA,
        ],
    )
    def sc_rs(lp_hbm, lt_hbm, out_hbm, bufp, buft, accv, sem1, sem2):
        wid = lax.axis_index("s") * info.num_cores + lax.axis_index("c")
        bi = wid // 8
        s = lax.rem(wid, 8)
        b = (B - NBSC) + bi
        row0 = b * D
        off0 = jnp.where(s < 6, s * STRIP, 6 * STRIP + (s - 6) * (4 * CH))

        def body(ci, _):
            _sc_chunk(lp_hbm, lt_hbm, out_hbm, bufp, buft, accv, sem1, sem2,
                      row0, bi, off0 + ci * CH, CH)
            return 0

        lax.fori_loop(0, 4, body, 0)

        @pl.when(s < 6)
        def _tail_small():
            _sc_chunk(lp_hbm, lt_hbm, out_hbm, bufp, buft, accv, sem1, sem2,
                      row0, bi, off0 + 4 * CH, 128)

    return sc_rs


def kernel(loc_preds, loc_targets, cls_preds, cls_targets):
    b, a, dd = loc_preds.shape
    lp = jnp.transpose(loc_preds, (0, 2, 1)).reshape(b * dd, a)
    lt = jnp.transpose(loc_targets, (0, 2, 1)).reshape(b * dd, a)
    x = jnp.transpose(cls_preds, (0, 2, 1))
    y = cls_targets

    info = plsc.get_sparse_core_info()
    rs = _make_sc(info)(lp, lt)

    scalars, pos_tail = pl.pallas_call(
        _tc_body,
        in_specs=[
            pl.BlockSpec(memory_space=pl.ANY),
            pl.BlockSpec(memory_space=pl.ANY),
            pl.BlockSpec((b, 1, a), lambda: (0, 0, 0)),
            pl.BlockSpec((b, a), lambda: (0, 0)),
        ],
        out_specs=[
            pl.BlockSpec(memory_space=pltpu.SMEM),
            pl.BlockSpec((NBSC, 1, a), lambda: (0, 0, 0)),
        ],
        out_shape=[
            jax.ShapeDtypeStruct((3,), jnp.float32),
            jax.ShapeDtypeStruct((NBSC, 1, a), jnp.float32),
        ],
        scratch_shapes=[
            pltpu.VMEM((NBUF, CHUNK, a), jnp.float32),
            pltpu.VMEM((NBUF, CHUNK, a), jnp.float32),
            pltpu.VMEM((b, 1, a), jnp.float32),
            pltpu.VMEM((NBSC * dd, a - (a // 128) * 128), jnp.float32),
            pltpu.VMEM((NBSC * dd, a - (a // 128) * 128), jnp.float32),
            pltpu.SemaphoreType.DMA((NBUF, 3)),
        ],
    )(lp, lt, x, y)

    loc_sc = pl.pallas_call(
        _tail_body,
        in_specs=[
            pl.BlockSpec((NBSC, 1, a), lambda: (0, 0, 0)),
            pl.BlockSpec((NBSC, 1, a), lambda: (0, 0, 0)),
        ],
        out_specs=pl.BlockSpec(memory_space=pltpu.SMEM),
        out_shape=jax.ShapeDtypeStruct((1,), jnp.float32),
    )(rs, pos_tail)

    loc_sum = scalars[0] + loc_sc[0]
    return (0.2 * loc_sum + scalars[1]) / scalars[2]

# --- scband reference (transcript-rebuilt; emitter-appended) ---
"""Pipeline reference for scband-original-focal-loss-8581344657454 (READ-ONLY COPY).

The authoritative reference and input builder live on the scoring server;
editing this copy changes nothing except your own understanding.
"""

import jax, jax.numpy as jnp
import numpy as np

B, A, D, NUM_CLASSES = 16, 50000, 8, 1


def setup_inputs(seed: int = 0) -> dict:
    key = jax.random.key(seed)
    k1, k2, k3, k4 = jax.random.split(key, 4)
    loc_preds = jax.random.normal(k1, (B, A, D), dtype=jnp.float32)
    loc_targets = jax.random.normal(k2, (B, A, D), dtype=jnp.float32)
    cls_preds = jax.random.normal(k3, (B, A, NUM_CLASSES), dtype=jnp.float32)
    cls_targets = jax.random.randint(k4, (B, A), 0, 2, dtype=jnp.int32)
    return {
        'loc_preds': loc_preds,
        'loc_targets': loc_targets,
        'cls_preds': cls_preds,
        'cls_targets': cls_targets,
    }


def reference(loc_preds, loc_targets, cls_preds, cls_targets):
    num_classes = NUM_CLASSES
    # pos mask and count
    pos = cls_targets > 0
    num_pos = pos.astype(jnp.float32).sum()
    # SmoothL1 (beta=1, sum reduction) restricted to positive anchors.
    # Torch gathers masked rows then sums; elementwise-mask + sum is identical math.
    d = loc_preds - loc_targets
    ad = jnp.abs(d)
    sl1 = jnp.where(ad < 1.0, 0.5 * d * d, ad - 0.5)
    loc_loss = (sl1 * pos[:, :, None].astype(jnp.float32)).sum()
    # focal_loss_alt on anchors with cls_targets > -1 (all anchors here, but keep mask for fidelity)
    pos_neg = (cls_targets > -1).reshape(-1)
    x = cls_preds.reshape(-1, num_classes)
    y = cls_targets.reshape(-1)
    alpha = 0.25
    t = jax.nn.one_hot(y, num_classes + 1, dtype=jnp.float32)[:, 1:]
    xt = x * (2.0 * t - 1.0)
    pt = jax.nn.sigmoid(2.0 * xt + 1.0)
    w = alpha * t + (1.0 - alpha) * (1.0 - t)
    loss = -w * jnp.log(pt) / 2.0
    cls_loss = (loss * pos_neg[:, None].astype(jnp.float32)).sum()
    anchor_loss = 0.2 * (loc_loss / num_pos) + cls_loss / num_pos
    return anchor_loss

if __name__ == "__main__":
    import jax
    _d = setup_inputs()
    print(jax.jit(kernel)(*tuple(_d.values())))

</pallas_src>

<mosaic_0001>
#map = affine_map<(d0, d1) -> (0, 0)>
#map1 = affine_map<(d0, d1) -> (0, 0, 0)>
module attributes {stable_mosaic.version = 14 : i64} {
  func.func @sc_rs(%arg0: i32, %arg1: i32, %arg2: memref<128x50000xf32, #tpu.memory_space<hbm>>, %arg3: memref<128x50000xf32, #tpu.memory_space<hbm>>, %arg4: memref<2x1x50000xf32, #tpu.memory_space<hbm>>, %arg5: memref<8x1536xf32, #tpu.memory_space<vmem>>, %arg6: memref<8x1536xf32, #tpu.memory_space<vmem>>, %arg7: memref<1x1536xf32, #tpu.memory_space<vmem>>, %arg8: memref<!tpu.dma_semaphore, #tpu.memory_space<semaphore_mem>>, %arg9: memref<!tpu.dma_semaphore, #tpu.memory_space<semaphore_mem>>) attributes {dimension_semantics = [#tpu.dimension_semantics<core_parallel>, #tpu.dimension_semantics<subcore_parallel>], iteration_bounds = array<i64: 2, 16>, scalar_prefetch = 0 : i64, scratch_operands = 5 : i64, tpu.core_type = #tpu.core_type<sc_vector_subcore>, window_params = [{transform_indices = #map}, {transform_indices = #map}, {transform_indices = #map1}]} {
    %mul3A = arith.constant 2 : i32
    %mul3A_0 = arith.muli %arg1, %mul3A : i32
    %add3A = arith.addi %mul3A_0, %arg0 : i32
    %jit3A = arith.constant 8 : i32
    %div3A = arith.divsi %add3A, %jit3A : i32
    %sign3A = arith.constant 0 : i32
    %sign3A_1 = arith.cmpi sgt, %add3A, %sign3A : i32
    %sign3A_2 = arith.extui %sign3A_1 : i1 to i32
    %sign3A_3 = arith.constant 0 : i32
    %sign3A_4 = arith.cmpi slt, %add3A, %sign3A_3 : i32
    %sign3A_5 = arith.extui %sign3A_4 : i1 to i32
    %sign3A_6 = arith.subi %sign3A_2, %sign3A_5 : i32
    %sign3A_7 = arith.constant 0 : i32
    %sign3A_8 = arith.cmpi sgt, %jit3A, %sign3A_7 : i32
    %sign3A_9 = arith.extui %sign3A_8 : i1 to i32
    %sign3A_10 = arith.constant 0 : i32
    %sign3A_11 = arith.cmpi slt, %jit3A, %sign3A_10 : i32
    %sign3A_12 = arith.extui %sign3A_11 : i1 to i32
    %sign3A_13 = arith.subi %sign3A_9, %sign3A_12 : i32
    %ne3A = arith.cmpi ne, %sign3A_6, %sign3A_13 : i32
    %rem3A = arith.remsi %add3A, %jit3A : i32
    %ne3A_14 = arith.constant 0 : i32
    %ne3A_15 = arith.cmpi ne, %rem3A, %ne3A_14 : i32
    %and3A = arith.andi %ne3A, %ne3A_15 : i1
    %sub3A = arith.constant 1 : i32
    %sub3A_16 = arith.subi %div3A, %sub3A : i32
    %select_n3A = arith.select %and3A, %sub3A_16, %div3A : i32
    %rem3A_17 = arith.constant 8 : i32
    %rem3A_18 = arith.remsi %add3A, %rem3A_17 : i32
    %add3A_19 = arith.constant 14 : i32
    %add3A_20 = arith.addi %add3A_19, %select_n3A : i32
    %mul3A_21 = arith.constant 8 : i32
    %mul3A_22 = arith.muli %add3A_20, %mul3A_21 : i32
    %lt3A = arith.constant 6 : i32
    %lt3A_23 = arith.cmpi slt, %rem3A_18, %lt3A : i32
    %mul3A_24 = arith.constant 6272 : i32
    %mul3A_25 = arith.muli %rem3A_18, %mul3A_24 : i32
    %sub3A_26 = arith.constant 6 : i32
    %sub3A_27 = arith.subi %rem3A_18, %sub3A_26 : i32
    %mul3A_28 = arith.constant 6144 : i32
    %mul3A_29 = arith.muli %sub3A_27, %mul3A_28 : i32
    %add3A_30 = arith.constant 37632 : i32
    %add3A_31 = arith.addi %add3A_30, %mul3A_29 : i32
    %select_n3A_32 = arith.select %lt3A_23, %mul3A_25, %add3A_31 : i32
    %scan3A = arith.constant 0 : i32
    %scan3A_33 = arith.constant 0 : i32
    %scan3A_34 = arith.constant 4 : i32
    %scan3A_35 = arith.addi %scan3A_33, %scan3A_34 : i32
    %scan3A_36 = arith.constant 1 : i32
    %scan3A_37 = scf.for %scan3A_42 = %scan3A_33 to %scan3A_35 step %scan3A_36 iter_args(%scan3A_43 = %scan3A) -> (i32)  : i32 {
      %mul3A_44 = arith.constant 1536 : i32
      %mul3A_45 = arith.muli %scan3A_42, %mul3A_44 : i32
      %add3A_46 = arith.addi %select_n3A_32, %mul3A_45 : i32
      %multiple_of3A = tpu.assume_multiple %mul3A_22, 8 : i32
      %multiple_of3A_47 = tpu.assume_multiple %add3A_46, 128 : i32
      %dma_start3A = arith.constant 0 : i32
      %dma_start3A_48 = arith.constant 0 : i32
      %dma_start3A_49 = tpu.memref_slice %arg5[%dma_start3A, %dma_start3A_48] : memref<8x1536xf32, #tpu.memory_space<vmem>> -> memref<8x1536xf32, #tpu.memory_space<vmem>>
      %dma_start3A_50 = tpu.memref_slice %arg2[%multiple_of3A, %multiple_of3A_47] : memref<128x50000xf32, #tpu.memory_space<hbm>> -> memref<8x1536xf32, #tpu.memory_space<hbm>>
      %dma_start3A_51 = arith.constant 0 : i32
      %dma_start3A_52 = arith.constant 0 : i32
      %dma_start3A_53 = tpu.memref_slice %arg5[%dma_start3A_51, %dma_start3A_52] : memref<8x1536xf32, #tpu.memory_space<vmem>> -> memref<8x1536xf32, #tpu.memory_space<vmem>>
      %dma_start3A_54 = tpu.memref_slice %arg2[%multiple_of3A, %multiple_of3A_47] : memref<128x50000xf32, #tpu.memory_space<hbm>> -> memref<8x1536xf32, #tpu.memory_space<hbm>>
      tpu.enqueue_dma source(%dma_start3A_54 : memref<8x1536xf32, #tpu.memory_space<hbm>>) target(%dma_start3A_53 : memref<8x1536xf32, #tpu.memory_space<vmem>>) target_semaphore(%arg8 : memref<!tpu.dma_semaphore, #tpu.memory_space<semaphore_mem>>)
      %dma_start3A_55 = arith.constant 0 : i32
      %dma_start3A_56 = arith.constant 0 : i32
      %dma_start3A_57 = tpu.memref_slice %arg6[%dma_start3A_55, %dma_start3A_56] : memref<8x1536xf32, #tpu.memory_space<vmem>> -> memref<8x1536xf32, #tpu.memory_space<vmem>>
      %dma_start3A_58 = tpu.memref_slice %arg3[%multiple_of3A, %multiple_of3A_47] : memref<128x50000xf32, #tpu.memory_space<hbm>> -> memref<8x1536xf32, #tpu.memory_space<hbm>>
      %dma_start3A_59 = arith.constant 0 : i32
      %dma_start3A_60 = arith.constant 0 : i32
      %dma_start3A_61 = tpu.memref_slice %arg6[%dma_start3A_59, %dma_start3A_60] : memref<8x1536xf32, #tpu.memory_space<vmem>> -> memref<8x1536xf32, #tpu.memory_space<vmem>>
      %dma_start3A_62 = tpu.memref_slice %arg3[%multiple_of3A, %multiple_of3A_47] : memref<128x50000xf32, #tpu.memory_space<hbm>> -> memref<8x1536xf32, #tpu.memory_space<hbm>>
      tpu.enqueue_dma source(%dma_start3A_62 : memref<8x1536xf32, #tpu.memory_space<hbm>>) target(%dma_start3A_61 : memref<8x1536xf32, #tpu.memory_space<vmem>>) target_semaphore(%arg9 : memref<!tpu.dma_semaphore, #tpu.memory_space<semaphore_mem>>)
      %dma_wait3A = arith.constant 0 : i32
      %dma_wait3A_63 = arith.constant 0 : i32
      %dma_wait3A_64 = tpu.memref_slice %arg5[%dma_wait3A, %dma_wait3A_63] : memref<8x1536xf32, #tpu.memory_space<vmem>> -> memref<8x1536xf32, #tpu.memory_space<vmem>>
      %dma_wait3A_65 = tpu.memref_slice %arg2[%multiple_of3A, %multiple_of3A_47] : memref<128x50000xf32, #tpu.memory_space<hbm>> -> memref<8x1536xf32, #tpu.memory_space<hbm>>
      %dma_wait3A_66 = arith.constant 0 : i32
      %dma_wait3A_67 = arith.constant 0 : i32
      %dma_wait3A_68 = tpu.memref_slice %arg5[%dma_wait3A_66, %dma_wait3A_67] : memref<8x1536xf32, #tpu.memory_space<vmem>> -> memref<8x1536xf32, #tpu.memory_space<vmem>>
      %dma_wait3A_69 = tpu.memref_slice %arg2[%multiple_of3A, %multiple_of3A_47] : memref<128x50000xf32, #tpu.memory_space<hbm>> -> memref<8x1536xf32, #tpu.memory_space<hbm>>
      tpu.wait_dma2 semaphore(%arg8 : memref<!tpu.dma_semaphore, #tpu.memory_space<semaphore_mem>>) src(%dma_wait3A_69 : memref<8x1536xf32, #tpu.memory_space<hbm>>) dst(%dma_wait3A_68 : memref<8x1536xf32, #tpu.memory_space<vmem>>)
      %dma_wait3A_70 = arith.constant 0 : i32
      %dma_wait3A_71 = arith.constant 0 : i32
      %dma_wait3A_72 = tpu.memref_slice %arg6[%dma_wait3A_70, %dma_wait3A_71] : memref<8x1536xf32, #tpu.memory_space<vmem>> -> memref<8x1536xf32, #tpu.memory_space<vmem>>
      %dma_wait3A_73 = tpu.memref_slice %arg3[%multiple_of3A, %multiple_of3A_47] : memref<128x50000xf32, #tpu.memory_space<hbm>> -> memref<8x1536xf32, #tpu.memory_space<hbm>>
      %dma_wait3A_74 = arith.constant 0 : i32
      %dma_wait3A_75 = arith.constant 0 : i32
      %dma_wait3A_76 = tpu.memref_slice %arg6[%dma_wait3A_74, %dma_wait3A_75] : memref<8x1536xf32, #tpu.memory_space<vmem>> -> memref<8x1536xf32, #tpu.memory_space<vmem>>
      %dma_wait3A_77 = tpu.memref_slice %arg3[%multiple_of3A, %multiple_of3A_47] : memref<128x50000xf32, #tpu.memory_space<hbm>> -> memref<8x1536xf32, #tpu.memory_space<hbm>>
      tpu.wait_dma2 semaphore(%arg9 : memref<!tpu.dma_semaphore, #tpu.memory_space<semaphore_mem>>) src(%dma_wait3A_77 : memref<8x1536xf32, #tpu.memory_space<hbm>>) dst(%dma_wait3A_76 : memref<8x1536xf32, #tpu.memory_space<vmem>>)
      %scan3A_78 = arith.constant 0 : i32
      %scan3A_79 = arith.constant 0 : i32
      %scan3A_80 = arith.constant 96 : i32
      %scan3A_81 = arith.addi %scan3A_79, %scan3A_80 : i32
      %scan3A_82 = arith.constant 1 : i32
      %scan3A_83 = scf.for %scan3A_86 = %scan3A_79 to %scan3A_81 step %scan3A_82 iter_args(%scan3A_87 = %scan3A_78) -> (i32)  : i32 {
        %broadcast_in_dim3A = arith.constant 0.000000e+00 : f32
        %broadcast_in_dim3A_88 = vector.broadcast %broadcast_in_dim3A : f32 to vector<16xf32>
        %mul3A_89 = arith.constant 16 : i32
        %mul3A_90 = arith.muli %scan3A_86, %mul3A_89 : i32
        %get3A = arith.constant 0 : i32
        %get3A_91 = arith.index_cast %get3A : i32 to index
        %get3A_92 = arith.index_cast %mul3A_90 : i32 to index
        %get3A_93 = tpu.vector_load %arg5[%get3A_91, %get3A_92] {strides = array<i32>} : memref<8x1536xf32, #tpu.memory_space<vmem>>, vector<1x16xf32>,
        %get3A_94 = vector.shape_cast %get3A_93 : vector<1x16xf32> to vector<16xf32>
        %mul3A_95 = arith.constant 16 : i32
        %mul3A_96 = arith.muli %scan3A_86, %mul3A_95 : i32
        %get3A_97 = arith.constant 0 : i32
        %get3A_98 = arith.index_cast %get3A_97 : i32 to index
        %get3A_99 = arith.index_cast %mul3A_96 : i32 to index
        %get3A_100 = tpu.vector_load %arg6[%get3A_98, %get3A_99] {strides = array<i32>} : memref<8x1536xf32, #tpu.memory_space<vmem>>, vector<1x16xf32>,
        %get3A_101 = vector.shape_cast %get3A_100 : vector<1x16xf32> to vector<16xf32>
        %sub3A_102 = arith.subf %get3A_94, %get3A_101 : vector<16xf32>
        %abs3A = math.absf %sub3A_102 : vector<16xf32>
        %min3A = arith.constant 1.000000e+00 : f32
        %min3A_103 = vector.broadcast %min3A : f32 to vector<16xf32>
        %min3A_104 = arith.minimumf %abs3A, %min3A_103 : vector<16xf32>
        %mul3A_105 = arith.constant 5.000000e-01 : f32
        %mul3A_106 = vector.broadcast %mul3A_105 : f32 to vector<16xf32>
        %mul3A_107 = arith.mulf %mul3A_106, %min3A_104 : vector<16xf32>
        %sub3A_108 = arith.subf %abs3A, %mul3A_107 : vector<16xf32>
        %mul3A_109 = arith.mulf %min3A_104, %sub3A_108 : vector<16xf32>
        %add3A_110 = arith.addf %broadcast_in_dim3A_88, %mul3A_109 : vector<16xf32>
        %mul3A_111 = arith.constant 16 : i32
        %mul3A_112 = arith.muli %scan3A_86, %mul3A_111 : i32
        %get3A_113 = arith.constant 1 : i32
        %get3A_114 = arith.index_cast %get3A_113 : i32 to index
        %get3A_115 = arith.index_cast %mul3A_112 : i32 to index
        %get3A_116 = tpu.vector_load %arg5[%get3A_114, %get3A_115] {strides = array<i32>} : memref<8x1536xf32, #tpu.memory_space<vmem>>, vector<1x16xf32>,
        %get3A_117 = vector.shape_cast %get3A_116 : vector<1x16xf32> to vector<16xf32>
        %mul3A_118 = arith.constant 16 : i32
        %mul3A_119 = arith.muli %scan3A_86, %mul3A_118 : i32
        %get3A_120 = arith.constant 1 : i32
        %get3A_121 = arith.index_cast %get3A_120 : i32 to index
        %get3A_122 = arith.index_cast %mul3A_119 : i32 to index
        %get3A_123 = tpu.vector_load %arg6[%get3A_121, %get3A_122] {strides = array<i32>} : memref<8x1536xf32, #tpu.memory_space<vmem>>, vector<1x16xf32>,
        %get3A_124 = vector.shape_cast %get3A_123 : vector<1x16xf32> to vector<16xf32>
        %sub3A_125 = arith.subf %get3A_117, %get3A_124 : vector<16xf32>
        %abs3A_126 = math.absf %sub3A_125 : vector<16xf32>
        %min3A_127 = arith.constant 1.000000e+00 : f32
        %min3A_128 = vector.broadcast %min3A_127 : f32 to vector<16xf32>
        %min3A_129 = arith.minimumf %abs3A_126, %min3A_128 : vector<16xf32>
        %mul3A_130 = arith.constant 5.000000e-01 : f32
        %mul3A_131 = vector.broadcast %mul3A_130 : f32 to vector<16xf32>
        %mul3A_132 = arith.mulf %mul3A_131, %min3A_129 : vector<16xf32>
        %sub3A_133 = arith.subf %abs3A_126, %mul3A_132 : vector<16xf32>
        %mul3A_134 = arith.mulf %min3A_129, %sub3A_133 : vector<16xf32>
        %add3A_135 = arith.addf %add3A_110, %mul3A_134 : vector<16xf32>
        %mul3A_136 = arith.constant 16 : i32
        %mul3A_137 = arith.muli %scan3A_86, %mul3A_136 : i32
        %get3A_138 = arith.constant 2 : i32
        %get3A_139 = arith.index_cast %get3A_138 : i32 to index
        %get3A_140 = arith.index_cast %mul3A_137 : i32 to index
        %get3A_141 = tpu.vector_load %arg5[%get3A_139, %get3A_140] {strides = array<i32>} : memref<8x1536xf32, #tpu.memory_space<vmem>>, vector<1x16xf32>,
        %get3A_142 = vector.shape_cast %get3A_141 : vector<1x16xf32> to vector<16xf32>
        %mul3A_143 = arith.constant 16 : i32
        %mul3A_144 = arith.muli %scan3A_86, %mul3A_143 : i32
        %get3A_145 = arith.constant 2 : i32
        %get3A_146 = arith.index_cast %get3A_145 : i32 to index
        %get3A_147 = arith.index_cast %mul3A_144 : i32 to index
        %get3A_148 = tpu.vector_load %arg6[%get3A_146, %get3A_147] {strides = array<i32>} : memref<8x1536xf32, #tpu.memory_space<vmem>>, vector<1x16xf32>,
        %get3A_149 = vector.shape_cast %get3A_148 : vector<1x16xf32> to vector<16xf32>
        %sub3A_150 = arith.subf %get3A_142, %get3A_149 : vector<16xf32>
        %abs3A_151 = math.absf %sub3A_150 : vector<16xf32>
        %min3A_152 = arith.constant 1.000000e+00 : f32
        %min3A_153 = vector.broadcast %min3A_152 : f32 to vector<16xf32>
        %min3A_154 = arith.minimumf %abs3A_151, %min3A_153 : vector<16xf32>
        %mul3A_155 = arith.constant 5.000000e-01 : f32
        %mul3A_156 = vector.broadcast %mul3A_155 : f32 to vector<16xf32>
        %mul3A_157 = arith.mulf %mul3A_156, %min3A_154 : vector<16xf32>
        %sub3A_158 = arith.subf %abs3A_151, %mul3A_157 : vector<16xf32>
        %mul3A_159 = arith.mulf %min3A_154, %sub3A_158 : vector<16xf32>
        %add3A_160 = arith.addf %add3A_135, %mul3A_159 : vector<16xf32>
        %mul3A_161 = arith.constant 16 : i32
        %mul3A_162 = arith.muli %scan3A_86, %mul3A_161 : i32
        %get3A_163 = arith.constant 3 : i32
        %get3A_164 = arith.index_cast %get3A_163 : i32 to index
        %get3A_165 = arith.index_cast %mul3A_162 : i32 to index
        %get3A_166 = tpu.vector_load %arg5[%get3A_164, %get3A_165] {strides = array<i32>} : memref<8x1536xf32, #tpu.memory_space<vmem>>, vector<1x16xf32>,
        %get3A_167 = vector.shape_cast %get3A_166 : vector<1x16xf32> to vector<16xf32>
        %mul3A_168 = arith.constant 16 : i32
        %mul3A_169 = arith.muli %scan3A_86, %mul3A_168 : i32
        %get3A_170 = arith.constant 3 : i32
        %get3A_171 = arith.index_cast %get3A_170 : i32 to index
        %get3A_172 = arith.index_cast %mul3A_169 : i32 to index
        %get3A_173 = tpu.vector_load %arg6[%get3A_171, %get3A_172] {strides = array<i32>} : memref<8x1536xf32, #tpu.memory_space<vmem>>, vector<1x16xf32>,
        %get3A_174 = vector.shape_cast %get3A_173 : vector<1x16xf32> to vector<16xf32>
        %sub3A_175 = arith.subf %get3A_167, %get3A_174 : vector<16xf32>
        %abs3A_176 = math.absf %sub3A_175 : vector<16xf32>
        %min3A_177 = arith.constant 1.000000e+00 : f32
        %min3A_178 = vector.broadcast %min3A_177 : f32 to vector<16xf32>
        %min3A_179 = arith.minimumf %abs3A_176, %min3A_178 : vector<16xf32>
        %mul3A_180 = arith.constant 5.000000e-01 : f32
        %mul3A_181 = vector.broadcast %mul3A_180 : f32 to vector<16xf32>
        %mul3A_182 = arith.mulf %mul3A_181, %min3A_179 : vector<16xf32>
        %sub3A_183 = arith.subf %abs3A_176, %mul3A_182 : vector<16xf32>
        %mul3A_184 = arith.mulf %min3A_179, %sub3A_183 : vector<16xf32>
        %add3A_185 = arith.addf %add3A_160, %mul3A_184 : vector<16xf32>
        %mul3A_186 = arith.constant 16 : i32
        %mul3A_187 = arith.muli %scan3A_86, %mul3A_186 : i32
        %get3A_188 = arith.constant 4 : i32
        %get3A_189 = arith.index_cast %get3A_188 : i32 to index
        %get3A_190 = arith.index_cast %mul3A_187 : i32 to index
        %get3A_191 = tpu.vector_load %arg5[%get3A_189, %get3A_190] {strides = array<i32>} : memref<8x1536xf32, #tpu.memory_space<vmem>>, vector<1x16xf32>,
        %get3A_192 = vector.shape_cast %get3A_191 : vector<1x16xf32> to vector<16xf32>
        %mul3A_193 = arith.constant 16 : i32
        %mul3A_194 = arith.muli %scan3A_86, %mul3A_193 : i32
        %get3A_195 = arith.constant 4 : i32
        %get3A_196 = arith.index_cast %get3A_195 : i32 to index
        %get3A_197 = arith.index_cast %mul3A_194 : i32 to index
        %get3A_198 = tpu.vector_load %arg6[%get3A_196, %get3A_197] {strides = array<i32>} : memref<8x1536xf32, #tpu.memory_space<vmem>>, vector<1x16xf32>,
        %get3A_199 = vector.shape_cast %get3A_198 : vector<1x16xf32> to vector<16xf32>
        %sub3A_200 = arith.subf %get3A_192, %get3A_199 : vector<16xf32>
        %abs3A_201 = math.absf %sub3A_200 : vector<16xf32>
        %min3A_202 = arith.constant 1.000000e+00 : f32
        %min3A_203 = vector.broadcast %min3A_202 : f32 to vector<16xf32>
        %min3A_204 = arith.minimumf %abs3A_201, %min3A_203 : vector<16xf32>
        %mul3A_205 = arith.constant 5.000000e-01 : f32
        %mul3A_206 = vector.broadcast %mul3A_205 : f32 to vector<16xf32>
        %mul3A_207 = arith.mulf %mul3A_206, %min3A_204 : vector<16xf32>
        %sub3A_208 = arith.subf %abs3A_201, %mul3A_207 : vector<16xf32>
        %mul3A_209 = arith.mulf %min3A_204, %sub3A_208 : vector<16xf32>
        %add3A_210 = arith.addf %add3A_185, %mul3A_209 : vector<16xf32>
        %mul3A_211 = arith.constant 16 : i32
        %mul3A_212 = arith.muli %scan3A_86, %mul3A_211 : i32
        %get3A_213 = arith.constant 5 : i32
        %get3A_214 = arith.index_cast %get3A_213 : i32 to index
        %get3A_215 = arith.index_cast %mul3A_212 : i32 to index
        %get3A_216 = tpu.vector_load %arg5[%get3A_214, %get3A_215] {strides = array<i32>} : memref<8x1536xf32, #tpu.memory_space<vmem>>, vector<1x16xf32>,
        %get3A_217 = vector.shape_cast %get3A_216 : vector<1x16xf32> to vector<16xf32>
        %mul3A_218 = arith.constant 16 : i32
        %mul3A_219 = arith.muli %scan3A_86, %mul3A_218 : i32
        %get3A_220 = arith.constant 5 : i32
        %get3A_221 = arith.index_cast %get3A_220 : i32 to index
        %get3A_222 = arith.index_cast %mul3A_219 : i32 to index
        %get3A_223 = tpu.vector_load %arg6[%get3A_221, %get3A_222] {strides = array<i32>} : memref<8x1536xf32, #tpu.memory_space<vmem>>, vector<1x16xf32>,
        %get3A_224 = vector.shape_cast %get3A_223 : vector<1x16xf32> to vector<16xf32>
        %sub3A_225 = arith.subf %get3A_217, %get3A_224 : vector<16xf32>
        %abs3A_226 = math.absf %sub3A_225 : vector<16xf32>
        %min3A_227 = arith.constant 1.000000e+00 : f32
        %min3A_228 = vector.broadcast %min3A_227 : f32 to vector<16xf32>
        %min3A_229 = arith.minimumf %abs3A_226, %min3A_228 : vector<16xf32>
        %mul3A_230 = arith.constant 5.000000e-01 : f32
        %mul3A_231 = vector.broadcast %mul3A_230 : f32 to vector<16xf32>
        %mul3A_232 = arith.mulf %mul3A_231, %min3A_229 : vector<16xf32>
        %sub3A_233 = arith.subf %abs3A_226, %mul3A_232 : vector<16xf32>
        %mul3A_234 = arith.mulf %min3A_229, %sub3A_233 : vector<16xf32>
        %add3A_235 = arith.addf %add3A_210, %mul3A_234 : vector<16xf32>
        %mul3A_236 = arith.constant 16 : i32
        %mul3A_237 = arith.muli %scan3A_86, %mul3A_236 : i32
        %get3A_238 = arith.constant 6 : i32
        %get3A_239 = arith.index_cast %get3A_238 : i32 to index
        %get3A_240 = arith.index_cast %mul3A_237 : i32 to index
        %get3A_241 = tpu.vector_load %arg5[%get3A_239, %get3A_240] {strides = array<i32>} : memref<8x1536xf32, #tpu.memory_space<vmem>>, vector<1x16xf32>,
        %get3A_242 = vector.shape_cast %get3A_241 : vector<1x16xf32> to vector<16xf32>
        %mul3A_243 = arith.constant 16 : i32
        %mul3A_244 = arith.muli %scan3A_86, %mul3A_243 : i32
        %get3A_245 = arith.constant 6 : i32
        %get3A_246 = arith.index_cast %get3A_245 : i32 to index
        %get3A_247 = arith.index_cast %mul3A_244 : i32 to index
        %get3A_248 = tpu.vector_load %arg6[%get3A_246, %get3A_247] {strides = array<i32>} : memref<8x1536xf32, #tpu.memory_space<vmem>>, vector<1x16xf32>,
        %get3A_249 = vector.shape_cast %get3A_248 : vector<1x16xf32> to vector<16xf32>
        %sub3A_250 = arith.subf %get3A_242, %get3A_249 : vector<16xf32>
        %abs3A_251 = math.absf %sub3A_250 : vector<16xf32>
        %min3A_252 = arith.constant 1.000000e+00 : f32
        %min3A_253 = vector.broadcast %min3A_252 : f32 to vector<16xf32>
        %min3A_254 = arith.minimumf %abs3A_251, %min3A_253 : vector<16xf32>
        %mul3A_255 = arith.constant 5.000000e-01 : f32
        %mul3A_256 = vector.broadcast %mul3A_255 : f32 to vector<16xf32>
        %mul3A_257 = arith.mulf %mul3A_256, %min3A_254 : vector<16xf32>
        %sub3A_258 = arith.subf %abs3A_251, %mul3A_257 : vector<16xf32>
        %mul3A_259 = arith.mulf %min3A_254, %sub3A_258 : vector<16xf32>
        %add3A_260 = arith.addf %add3A_235, %mul3A_259 : vector<16xf32>
        %mul3A_261 = arith.constant 16 : i32
        %mul3A_262 = arith.muli %scan3A_86, %mul3A_261 : i32
        %get3A_263 = arith.constant 7 : i32
        %get3A_264 = arith.index_cast %get3A_263 : i32 to index
        %get3A_265 = arith.index_cast %mul3A_262 : i32 to index
        %get3A_266 = tpu.vector_load %arg5[%get3A_264, %get3A_265] {strides = array<i32>} : memref<8x1536xf32, #tpu.memory_space<vmem>>, vector<1x16xf32>,
        %get3A_267 = vector.shape_cast %get3A_266 : vector<1x16xf32> to vector<16xf32>
        %mul3A_268 = arith.constant 16 : i32
        %mul3A_269 = arith.muli %scan3A_86, %mul3A_268 : i32
        %get3A_270 = arith.constant 7 : i32
        %get3A_271 = arith.index_cast %get3A_270 : i32 to index
        %get3A_272 = arith.index_cast %mul3A_269 : i32 to index
        %get3A_273 = tpu.vector_load %arg6[%get3A_271, %get3A_272] {strides = array<i32>} : memref<8x1536xf32, #tpu.memory_space<vmem>>, vector<1x16xf32>,
        %get3A_274 = vector.shape_cast %get3A_273 : vector<1x16xf32> to vector<16xf32>
        %sub3A_275 = arith.subf %get3A_267, %get3A_274 : vector<16xf32>
        %abs3A_276 = math.absf %sub3A_275 : vector<16xf32>
        %min3A_277 = arith.constant 1.000000e+00 : f32
        %min3A_278 = vector.broadcast %min3A_277 : f32 to vector<16xf32>
        %min3A_279 = arith.minimumf %abs3A_276, %min3A_278 : vector<16xf32>
        %mul3A_280 = arith.constant 5.000000e-01 : f32
        %mul3A_281 = vector.broadcast %mul3A_280 : f32 to vector<16xf32>
        %mul3A_282 = arith.mulf %mul3A_281, %min3A_279 : vector<16xf32>
        %sub3A_283 = arith.subf %abs3A_276, %mul3A_282 : vector<16xf32>
        %mul3A_284 = arith.mulf %min3A_279, %sub3A_283 : vector<16xf32>
        %add3A_285 = arith.addf %add3A_260, %mul3A_284 : vector<16xf32>
        %mul3A_286 = arith.constant 16 : i32
        %mul3A_287 = arith.muli %scan3A_86, %mul3A_286 : i32
        %swap3A = arith.constant 0 : i32
        %swap3A_288 = arith.index_cast %swap3A : i32 to index
        %swap3A_289 = arith.index_cast %mul3A_287 : i32 to index
        %swap3A_290 = tpu.vector_load %arg7[%swap3A_288, %swap3A_289] {strides = array<i32>} : memref<1x1536xf32, #tpu.memory_space<vmem>>, vector<1x16xf32>,
        %swap3A_291 = vector.shape_cast %swap3A_290 : vector<1x16xf32> to vector<16xf32>
        %swap3A_292 = vector.shape_cast %add3A_285 : vector<16xf32> to vector<1x16xf32>
        tpu.vector_store %arg7[%swap3A_288, %swap3A_289], %swap3A_292 {strides = array<i32>} : memref<1x1536xf32, #tpu.memory_space<vmem>>, vector<1x16xf32>,
        %scan3A_293 = arith.constant 0 : i32
        scf.yield %scan3A_293 : i32
      }
      %scan3A_84 = arith.constant 96 : i32
      "tpu.region"() ({
        %run_scoped3A = tpu.sem_alloc : memref<!tpu.dma_semaphore, #tpu.memory_space<semaphore_mem>>
        %dma_start3A_86 = arith.constant 0 : i32
        %dma_start3A_87 = arith.constant 0 : i32
        %dma_start3A_88 = tpu.memref_slice %arg7[%dma_start3A_86, %dma_start3A_87] : memref<1x1536xf32, #tpu.memory_space<vmem>> -> memref<1x1536xf32, #tpu.memory_space<vmem>>
        %dma_start3A_89 = arith.constant 0 : i32
        %dma_start3A_90 = tpu.memref_slice %arg4[%select_n3A, %dma_start3A_89, %multiple_of3A_47] : memref<2x1x50000xf32, #tpu.memory_space<hbm>> -> memref<1x1x1536xf32, #tpu.memory_space<hbm>>
        %dma_start3A_91 = tpu.memref_squeeze %dma_start3A_90 : memref<1x1x1536xf32, #tpu.memory_space<hbm>> -> memref<1x1536xf32, #tpu.memory_space<hbm>>
        %dma_start3A_92 = arith.constant 0 : i32
        %dma_start3A_93 = tpu.memref_slice %arg4[%select_n3A, %dma_start3A_92, %multiple_of3A_47] : memref<2x1x50000xf32, #tpu.memory_space<hbm>> -> memref<1x1x1536xf32, #tpu.memory_space<hbm>>
        %dma_start3A_94 = tpu.memref_squeeze %dma_start3A_93 : memref<1x1x1536xf32, #tpu.memory_space<hbm>> -> memref<1x1536xf32, #tpu.memory_space<hbm>>
        %dma_start3A_95 = arith.constant 0 : i32
        %dma_start3A_96 = arith.constant 0 : i32
        %dma_start3A_97 = tpu.memref_slice %arg7[%dma_start3A_95, %dma_start3A_96] : memref<1x1536xf32, #tpu.memory_space<vmem>> -> memref<1x1536xf32, #tpu.memory_space<vmem>>
        tpu.enqueue_dma source(%dma_start3A_97 : memref<1x1536xf32, #tpu.memory_space<vmem>>) target(%dma_start3A_94 : memref<1x1536xf32, #tpu.memory_space<hbm>>) target_semaphore(%run_scoped3A : memref<!tpu.dma_semaphore, #tpu.memory_space<semaphore_mem>>)
        %dma_wait3A_98 = arith.constant 0 : i32
        %dma_wait3A_99 = arith.constant 0 : i32
        %dma_wait3A_100 = tpu.memref_slice %arg7[%dma_wait3A_98, %dma_wait3A_99] : memref<1x1536xf32, #tpu.memory_space<vmem>> -> memref<1x1536xf32, #tpu.memory_space<vmem>>
        %dma_wait3A_101 = arith.constant 0 : i32
        %dma_wait3A_102 = tpu.memref_slice %arg4[%select_n3A, %dma_wait3A_101, %multiple_of3A_47] : memref<2x1x50000xf32, #tpu.memory_space<hbm>> -> memref<1x1x1536xf32, #tpu.memory_space<hbm>>
        %dma_wait3A_103 = tpu.memref_squeeze %dma_wait3A_102 : memref<1x1x1536xf32, #tpu.memory_space<hbm>> -> memref<1x1536xf32, #tpu.memory_space<hbm>>
        %dma_wait3A_104 = arith.constant 0 : i32
        %dma_wait3A_105 = tpu.memref_slice %arg4[%select_n3A, %dma_wait3A_104, %multiple_of3A_47] : memref<2x1x50000xf32, #tpu.memory_space<hbm>> -> memref<1x1x1536xf32, #tpu.memory_space<hbm>>
        %dma_wait3A_106 = tpu.memref_squeeze %dma_wait3A_105 : memref<1x1x1536xf32, #tpu.memory_space<hbm>> -> memref<1x1536xf32, #tpu.memory_space<hbm>>
        %dma_wait3A_107 = arith.constant 0 : i32
        %dma_wait3A_108 = arith.constant 0 : i32
        %dma_wait3A_109 = tpu.memref_slice %arg7[%dma_wait3A_107, %dma_wait3A_108] : memref<1x1536xf32, #tpu.memory_space<vmem>> -> memref<1x1536xf32, #tpu.memory_space<vmem>>
        tpu.wait_dma2 semaphore(%run_scoped3A : memref<!tpu.dma_semaphore, #tpu.memory_space<semaphore_mem>>) src(%dma_wait3A_109 : memref<1x1536xf32, #tpu.memory_space<vmem>>) dst(%dma_wait3A_106 : memref<1x1536xf32, #tpu.memory_space<hbm>>)
        tpu.yield
      }) : () -> ()
      %scan3A_85 = arith.constant 0 : i32
      scf.yield %scan3A_85 : i32
    }
    %scan3A_38 = arith.constant 4 : i32
    %lt3A_39 = arith.constant 6 : i32
    %lt3A_40 = arith.cmpi slt, %rem3A_18, %lt3A_39 : i32
    %convert_element_type3A = arith.extui %lt3A_40 : i1 to i32
    %cond3A = arith.constant 0 : i32
    %cond3A_41 = arith.cmpi ne, %convert_element_type3A, %cond3A : i32
    scf.if %cond3A_41 {
      %add3A_42 = arith.constant 6144 : i32
      %add3A_43 = arith.addi %select_n3A_32, %add3A_42 : i32
      %multiple_of3A = tpu.assume_multiple %mul3A_22, 8 : i32
      %multiple_of3A_44 = tpu.assume_multiple %add3A_43, 128 : i32
      %dma_start3A = arith.constant 0 : i32
      %dma_start3A_45 = arith.constant 0 : i32
      %dma_start3A_46 = tpu.memref_slice %arg5[%dma_start3A, %dma_start3A_45] : memref<8x1536xf32, #tpu.memory_space<vmem>> -> memref<8x128xf32, #tpu.memory_space<vmem>>
      %dma_start3A_47 = tpu.memref_slice %arg2[%multiple_of3A, %multiple_of3A_44] : memref<128x50000xf32, #tpu.memory_space<hbm>> -> memref<8x128xf32, #tpu.memory_space<hbm>>
      %dma_start3A_48 = arith.constant 0 : i32
      %dma_start3A_49 = arith.constant 0 : i32
      %dma_start3A_50 = tpu.memref_slice %arg5[%dma_start3A_48, %dma_start3A_49] : memref<8x1536xf32, #tpu.memory_space<vmem>> -> memref<8x128xf32, #tpu.memory_space<vmem>>
      %dma_start3A_51 = tpu.memref_slice %arg2[%multiple_of3A, %multiple_of3A_44] : memref<128x50000xf32, #tpu.memory_space<hbm>> -> memref<8x128xf32, #tpu.memory_space<hbm>>
      tpu.enqueue_dma source(%dma_start3A_51 : memref<8x128xf32, #tpu.memory_space<hbm>>) target(%dma_start3A_50 : memref<8x128xf32, #tpu.memory_space<vmem>>) target_semaphore(%arg8 : memref<!tpu.dma_semaphore, #tpu.memory_space<semaphore_mem>>)
      %dma_start3A_52 = arith.constant 0 : i32
      %dma_start3A_53 = arith.constant 0 : i32
      %dma_start3A_54 = tpu.memref_slice %arg6[%dma_start3A_52, %dma_start3A_53] : memref<8x1536xf32, #tpu.memory_space<vmem>> -> memref<8x128xf32, #tpu.memory_space<vmem>>
      %dma_start3A_55 = tpu.memref_slice %arg3[%multiple_of3A, %multiple_of3A_44] : memref<128x50000xf32, #tpu.memory_space<hbm>> -> memref<8x128xf32, #tpu.memory_space<hbm>>
      %dma_start3A_56 = arith.constant 0 : i32
      %dma_start3A_57 = arith.constant 0 : i32
      %dma_start3A_58 = tpu.memref_slice %arg6[%dma_start3A_56, %dma_start3A_57] : memref<8x1536xf32, #tpu.memory_space<vmem>> -> memref<8x128xf32, #tpu.memory_space<vmem>>
      %dma_start3A_59 = tpu.memref_slice %arg3[%multiple_of3A, %multiple_of3A_44] : memref<128x50000xf32, #tpu.memory_space<hbm>> -> memref<8x128xf32, #tpu.memory_space<hbm>>
      tpu.enqueue_dma source(%dma_start3A_59 : memref<8x128xf32, #tpu.memory_space<hbm>>) target(%dma_start3A_58 : memref<8x128xf32, #tpu.memory_space<vmem>>) target_semaphore(%arg9 : memref<!tpu.dma_semaphore, #tpu.memory_space<semaphore_mem>>)
      %dma_wait3A = arith.constant 0 : i32
      %dma_wait3A_60 = arith.constant 0 : i32
      %dma_wait3A_61 = tpu.memref_slice %arg5[%dma_wait3A, %dma_wait3A_60] : memref<8x1536xf32, #tpu.memory_space<vmem>> -> memref<8x128xf32, #tpu.memory_space<vmem>>
      %dma_wait3A_62 = tpu.memref_slice %arg2[%multiple_of3A, %multiple_of3A_44] : memref<128x50000xf32, #tpu.memory_space<hbm>> -> memref<8x128xf32, #tpu.memory_space<hbm>>
      %dma_wait3A_63 = arith.constant 0 : i32
      %dma_wait3A_64 = arith.constant 0 : i32
      %dma_wait3A_65 = tpu.memref_slice %arg5[%dma_wait3A_63, %dma_wait3A_64] : memref<8x1536xf32, #tpu.memory_space<vmem>> -> memref<8x128xf32, #tpu.memory_space<vmem>>
      %dma_wait3A_66 = tpu.memref_slice %arg2[%multiple_of3A, %multiple_of3A_44] : memref<128x50000xf32, #tpu.memory_space<hbm>> -> memref<8x128xf32, #tpu.memory_space<hbm>>
      tpu.wait_dma2 semaphore(%arg8 : memref<!tpu.dma_semaphore, #tpu.memory_space<semaphore_mem>>) src(%dma_wait3A_66 : memref<8x128xf32, #tpu.memory_space<hbm>>) dst(%dma_wait3A_65 : memref<8x128xf32, #tpu.memory_space<vmem>>)
      %dma_wait3A_67 = arith.constant 0 : i32
      %dma_wait3A_68 = arith.constant 0 : i32
      %dma_wait3A_69 = tpu.memref_slice %arg6[%dma_wait3A_67, %dma_wait3A_68] : memref<8x1536xf32, #tpu.memory_space<vmem>> -> memref<8x128xf32, #tpu.memory_space<vmem>>
      %dma_wait3A_70 = tpu.memref_slice %arg3[%multiple_of3A, %multiple_of3A_44] : memref<128x50000xf32, #tpu.memory_space<hbm>> -> memref<8x128xf32, #tpu.memory_space<hbm>>
      %dma_wait3A_71 = arith.constant 0 : i32
      %dma_wait3A_72 = arith.constant 0 : i32
      %dma_wait3A_73 = tpu.memref_slice %arg6[%dma_wait3A_71, %dma_wait3A_72] : memref<8x1536xf32, #tpu.memory_space<vmem>> -> memref<8x128xf32, #tpu.memory_space<vmem>>
      %dma_wait3A_74 = tpu.memref_slice %arg3[%multiple_of3A, %multiple_of3A_44] : memref<128x50000xf32, #tpu.memory_space<hbm>> -> memref<8x128xf32, #tpu.memory_space<hbm>>
      tpu.wait_dma2 semaphore(%arg9 : memref<!tpu.dma_semaphore, #tpu.memory_space<semaphore_mem>>) src(%dma_wait3A_74 : memref<8x128xf32, #tpu.memory_space<hbm>>) dst(%dma_wait3A_73 : memref<8x128xf32, #tpu.memory_space<vmem>>)
      %scan3A_75 = arith.constant 0 : i32
      %scan3A_76 = arith.constant 0 : i32
      %scan3A_77 = arith.constant 8 : i32
      %scan3A_78 = arith.addi %scan3A_76, %scan3A_77 : i32
      %scan3A_79 = arith.constant 1 : i32
      %scan3A_80 = scf.for %scan3A_82 = %scan3A_76 to %scan3A_78 step %scan3A_79 iter_args(%scan3A_83 = %scan3A_75) -> (i32)  : i32 {
        %broadcast_in_dim3A = arith.constant 0.000000e+00 : f32
        %broadcast_in_dim3A_84 = vector.broadcast %broadcast_in_dim3A : f32 to vector<16xf32>
        %mul3A_85 = arith.constant 16 : i32
        %mul3A_86 = arith.muli %scan3A_82, %mul3A_85 : i32
        %get3A = arith.constant 0 : i32
        %get3A_87 = arith.index_cast %get3A : i32 to index
        %get3A_88 = arith.index_cast %mul3A_86 : i32 to index
        %get3A_89 = tpu.vector_load %arg5[%get3A_87, %get3A_88] {strides = array<i32>} : memref<8x1536xf32, #tpu.memory_space<vmem>>, vector<1x16xf32>,
        %get3A_90 = vector.shape_cast %get3A_89 : vector<1x16xf32> to vector<16xf32>
        %mul3A_91 = arith.constant 16 : i32
        %mul3A_92 = arith.muli %scan3A_82, %mul3A_91 : i32
        %get3A_93 = arith.constant 0 : i32
        %get3A_94 = arith.index_cast %get3A_93 : i32 to index
        %get3A_95 = arith.index_cast %mul3A_92 : i32 to index
        %get3A_96 = tpu.vector_load %arg6[%get3A_94, %get3A_95] {strides = array<i32>} : memref<8x1536xf32, #tpu.memory_space<vmem>>, vector<1x16xf32>,
        %get3A_97 = vector.shape_cast %get3A_96 : vector<1x16xf32> to vector<16xf32>
        %sub3A_98 = arith.subf %get3A_90, %get3A_97 : vector<16xf32>
        %abs3A = math.absf %sub3A_98 : vector<16xf32>
        %min3A = arith.constant 1.000000e+00 : f32
        %min3A_99 = vector.broadcast %min3A : f32 to vector<16xf32>
        %min3A_100 = arith.minimumf %abs3A, %min3A_99 : vector<16xf32>
        %mul3A_101 = arith.constant 5.000000e-01 : f32
        %mul3A_102 = vector.broadcast %mul3A_101 : f32 to vector<16xf32>
        %mul3A_103 = arith.mulf %mul3A_102, %min3A_100 : vector<16xf32>
        %sub3A_104 = arith.subf %abs3A, %mul3A_103 : vector<16xf32>
        %mul3A_105 = arith.mulf %min3A_100, %sub3A_104 : vector<16xf32>
        %add3A_106 = arith.addf %broadcast_in_dim3A_84, %mul3A_105 : vector<16xf32>
        %mul3A_107 = arith.constant 16 : i32
        %mul3A_108 = arith.muli %scan3A_82, %mul3A_107 : i32
        %get3A_109 = arith.constant 1 : i32
        %get3A_110 = arith.index_cast %get3A_109 : i32 to index
        %get3A_111 = arith.index_cast %mul3A_108 : i32 to index
        %get3A_112 = tpu.vector_load %arg5[%get3A_110, %get3A_111] {strides = array<i32>} : memref<8x1536xf32, #tpu.memory_space<vmem>>, vector<1x16xf32>,
        %get3A_113 = vector.shape_cast %get3A_112 : vector<1x16xf32> to vector<16xf32>
        %mul3A_114 = arith.constant 16 : i32
        %mul3A_115 = arith.muli %scan3A_82, %mul3A_114 : i32
        %get3A_116 = arith.constant 1 : i32
        %get3A_117 = arith.index_cast %get3A_116 : i32 to index
        %get3A_118 = arith.index_cast %mul3A_115 : i32 to index
        %get3A_119 = tpu.vector_load %arg6[%get3A_117, %get3A_118] {strides = array<i32>} : memref<8x1536xf32, #tpu.memory_space<vmem>>, vector<1x16xf32>,
        %get3A_120 = vector.shape_cast %get3A_119 : vector<1x16xf32> to vector<16xf32>
        %sub3A_121 = arith.subf %get3A_113, %get3A_120 : vector<16xf32>
        %abs3A_122 = math.absf %sub3A_121 : vector<16xf32>
        %min3A_123 = arith.constant 1.000000e+00 : f32
        %min3A_124 = vector.broadcast %min3A_123 : f32 to vector<16xf32>
        %min3A_125 = arith.minimumf %abs3A_122, %min3A_124 : vector<16xf32>
        %mul3A_126 = arith.constant 5.000000e-01 : f32
        %mul3A_127 = vector.broadcast %mul3A_126 : f32 to vector<16xf32>
        %mul3A_128 = arith.mulf %mul3A_127, %min3A_125 : vector<16xf32>
        %sub3A_129 = arith.subf %abs3A_122, %mul3A_128 : vector<16xf32>
        %mul3A_130 = arith.mulf %min3A_125, %sub3A_129 : vector<16xf32>
        %add3A_131 = arith.addf %add3A_106, %mul3A_130 : vector<16xf32>
        %mul3A_132 = arith.constant 16 : i32
        %mul3A_133 = arith.muli %scan3A_82, %mul3A_132 : i32
        %get3A_134 = arith.constant 2 : i32
        %get3A_135 = arith.index_cast %get3A_134 : i32 to index
        %get3A_136 = arith.index_cast %mul3A_133 : i32 to index
        %get3A_137 = tpu.vector_load %arg5[%get3A_135, %get3A_136] {strides = array<i32>} : memref<8x1536xf32, #tpu.memory_space<vmem>>, vector<1x16xf32>,
        %get3A_138 = vector.shape_cast %get3A_137 : vector<1x16xf32> to vector<16xf32>
        %mul3A_139 = arith.constant 16 : i32
        %mul3A_140 = arith.muli %scan3A_82, %mul3A_139 : i32
        %get3A_141 = arith.constant 2 : i32
        %get3A_142 = arith.index_cast %get3A_141 : i32 to index
        %get3A_143 = arith.index_cast %mul3A_140 : i32 to index
        %get3A_144 = tpu.vector_load %arg6[%get3A_142, %get3A_143] {strides = array<i32>} : memref<8x1536xf32, #tpu.memory_space<vmem>>, vector<1x16xf32>,
        %get3A_145 = vector.shape_cast %get3A_144 : vector<1x16xf32> to vector<16xf32>
        %sub3A_146 = arith.subf %get3A_138, %get3A_145 : vector<16xf32>
        %abs3A_147 = math.absf %sub3A_146 : vector<16xf32>
        %min3A_148 = arith.constant 1.000000e+00 : f32
        %min3A_149 = vector.broadcast %min3A_148 : f32 to vector<16xf32>
        %min3A_150 = arith.minimumf %abs3A_147, %min3A_149 : vector<16xf32>
        %mul3A_151 = arith.constant 5.000000e-01 : f32
        %mul3A_152 = vector.broadcast %mul3A_151 : f32 to vector<16xf32>
        %mul3A_153 = arith.mulf %mul3A_152, %min3A_150 : vector<16xf32>
        %sub3A_154 = arith.subf %abs3A_147, %mul3A_153 : vector<16xf32>
        %mul3A_155 = arith.mulf %min3A_150, %sub3A_154 : vector<16xf32>
        %add3A_156 = arith.addf %add3A_131, %mul3A_155 : vector<16xf32>
        %mul3A_157 = arith.constant 16 : i32
        %mul3A_158 = arith.muli %scan3A_82, %mul3A_157 : i32
        %get3A_159 = arith.constant 3 : i32
        %get3A_160 = arith.index_cast %get3A_159 : i32 to index
        %get3A_161 = arith.index_cast %mul3A_158 : i32 to index
        %get3A_162 = tpu.vector_load %arg5[%get3A_160, %get3A_161] {strides = array<i32>} : memref<8x1536xf32, #tpu.memory_space<vmem>>, vector<1x16xf32>,
        %get3A_163 = vector.shape_cast %get3A_162 : vector<1x16xf32> to vector<16xf32>
        %mul3A_164 = arith.constant 16 : i32
        %mul3A_165 = arith.muli %scan3A_82, %mul3A_164 : i32
        %get3A_166 = arith.constant 3 : i32
        %get3A_167 = arith.index_cast %get3A_166 : i32 to index
        %get3A_168 = arith.index_cast %mul3A_165 : i32 to index
        %get3A_169 = tpu.vector_load %arg6[%get3A_167, %get3A_168] {strides = array<i32>} : memref<8x1536xf32, #tpu.memory_space<vmem>>, vector<1x16xf32>,
        %get3A_170 = vector.shape_cast %get3A_169 : vector<1x16xf32> to vector<16xf32>
        %sub3A_171 = arith.subf %get3A_163, %get3A_170 : vector<16xf32>
        %abs3A_172 = math.absf %sub3A_171 : vector<16xf32>
        %min3A_173 = arith.constant 1.000000e+00 : f32
        %min3A_174 = vector.broadcast %min3A_173 : f32 to vector<16xf32>
        %min3A_175 = arith.minimumf %abs3A_172, %min3A_174 : vector<16xf32>
        %mul3A_176 = arith.constant 5.000000e-01 : f32
        %mul3A_177 = vector.broadcast %mul3A_176 : f32 to vector<16xf32>
        %mul3A_178 = arith.mulf %mul3A_177, %min3A_175 : vector<16xf32>
        %sub3A_179 = arith.subf %abs3A_172, %mul3A_178 : vector<16xf32>
        %mul3A_180 = arith.mulf %min3A_175, %sub3A_179 : vector<16xf32>
        %add3A_181 = arith.addf %add3A_156, %mul3A_180 : vector<16xf32>
        %mul3A_182 = arith.constant 16 : i32
        %mul3A_183 = arith.muli %scan3A_82, %mul3A_182 : i32
        %get3A_184 = arith.constant 4 : i32
        %get3A_185 = arith.index_cast %get3A_184 : i32 to index
        %get3A_186 = arith.index_cast %mul3A_183 : i32 to index
        %get3A_187 = tpu.vector_load %arg5[%get3A_185, %get3A_186] {strides = array<i32>} : memref<8x1536xf32, #tpu.memory_space<vmem>>, vector<1x16xf32>,
        %get3A_188 = vector.shape_cast %get3A_187 : vector<1x16xf32> to vector<16xf32>
        %mul3A_189 = arith.constant 16 : i32
        %mul3A_190 = arith.muli %scan3A_82, %mul3A_189 : i32
        %get3A_191 = arith.constant 4 : i32
        %get3A_192 = arith.index_cast %get3A_191 : i32 to index
        %get3A_193 = arith.index_cast %mul3A_190 : i32 to index
        %get3A_194 = tpu.vector_load %arg6[%get3A_192, %get3A_193] {strides = array<i32>} : memref<8x1536xf32, #tpu.memory_space<vmem>>, vector<1x16xf32>,
        %get3A_195 = vector.shape_cast %get3A_194 : vector<1x16xf32> to vector<16xf32>
        %sub3A_196 = arith.subf %get3A_188, %get3A_195 : vector<16xf32>
        %abs3A_197 = math.absf %sub3A_196 : vector<16xf32>
        %min3A_198 = arith.constant 1.000000e+00 : f32
        %min3A_199 = vector.broadcast %min3A_198 : f32 to vector<16xf32>
        %min3A_200 = arith.minimumf %abs3A_197, %min3A_199 : vector<16xf32>
        %mul3A_201 = arith.constant 5.000000e-01 : f32
        %mul3A_202 = vector.broadcast %mul3A_201 : f32 to vector<16xf32>
        %mul3A_203 = arith.mulf %mul3A_202, %min3A_200 : vector<16xf32>
        %sub3A_204 = arith.subf %abs3A_197, %mul3A_203 : vector<16xf32>
        %mul3A_205 = arith.mulf %min3A_200, %sub3A_204 : vector<16xf32>
        %add3A_206 = arith.addf %add3A_181, %mul3A_205 : vector<16xf32>
        %mul3A_207 = arith.constant 16 : i32
        %mul3A_208 = arith.muli %scan3A_82, %mul3A_207 : i32
        %get3A_209 = arith.constant 5 : i32
        %get3A_210 = arith.index_cast %get3A_209 : i32 to index
        %get3A_211 = arith.index_cast %mul3A_208 : i32 to index
        %get3A_212 = tpu.vector_load %arg5[%get3A_210, %get3A_211] {strides = array<i32>} : memref<8x1536xf32, #tpu.memory_space<vmem>>, vector<1x16xf32>,
        %get3A_213 = vector.shape_cast %get3A_212 : vector<1x16xf32> to vector<16xf32>
        %mul3A_214 = arith.constant 16 : i32
        %mul3A_215 = arith.muli %scan3A_82, %mul3A_214 : i32
        %get3A_216 = arith.constant 5 : i32
        %get3A_217 = arith.index_cast %get3A_216 : i32 to index
        %get3A_218 = arith.index_cast %mul3A_215 : i32 to index
        %get3A_219 = tpu.vector_load %arg6[%get3A_217, %get3A_218] {strides = array<i32>} : memref<8x1536xf32, #tpu.memory_space<vmem>>, vector<1x16xf32>,
        %get3A_220 = vector.shape_cast %get3A_219 : vector<1x16xf32> to vector<16xf32>
        %sub3A_221 = arith.subf %get3A_213, %get3A_220 : vector<16xf32>
        %abs3A_222 = math.absf %sub3A_221 : vector<16xf32>
        %min3A_223 = arith.constant 1.000000e+00 : f32
        %min3A_224 = vector.broadcast %min3A_223 : f32 to vector<16xf32>
        %min3A_225 = arith.minimumf %abs3A_222, %min3A_224 : vector<16xf32>
        %mul3A_226 = arith.constant 5.000000e-01 : f32
        %mul3A_227 = vector.broadcast %mul3A_226 : f32 to vector<16xf32>
        %mul3A_228 = arith.mulf %mul3A_227, %min3A_225 : vector<16xf32>
        %sub3A_229 = arith.subf %abs3A_222, %mul3A_228 : vector<16xf32>
        %mul3A_230 = arith.mulf %min3A_225, %sub3A_229 : vector<16xf32>
        %add3A_231 = arith.addf %add3A_206, %mul3A_230 : vector<16xf32>
        %mul3A_232 = arith.constant 16 : i32
        %mul3A_233 = arith.muli %scan3A_82, %mul3A_232 : i32
        %get3A_234 = arith.constant 6 : i32
        %get3A_235 = arith.index_cast %get3A_234 : i32 to index
        %get3A_236 = arith.index_cast %mul3A_233 : i32 to index
        %get3A_237 = tpu.vector_load %arg5[%get3A_235, %get3A_236] {strides = array<i32>} : memref<8x1536xf32, #tpu.memory_space<vmem>>, vector<1x16xf32>,
        %get3A_238 = vector.shape_cast %get3A_237 : vector<1x16xf32> to vector<16xf32>
        %mul3A_239 = arith.constant 16 : i32
        %mul3A_240 = arith.muli %scan3A_82, %mul3A_239 : i32
        %get3A_241 = arith.constant 6 : i32
        %get3A_242 = arith.index_cast %get3A_241 : i32 to index
        %get3A_243 = arith.index_cast %mul3A_240 : i32 to index
        %get3A_244 = tpu.vector_load %arg6[%get3A_242, %get3A_243] {strides = array<i32>} : memref<8x1536xf32, #tpu.memory_space<vmem>>, vector<1x16xf32>,
        %get3A_245 = vector.shape_cast %get3A_244 : vector<1x16xf32> to vector<16xf32>
        %sub3A_246 = arith.subf %get3A_238, %get3A_245 : vector<16xf32>
        %abs3A_247 = math.absf %sub3A_246 : vector<16xf32>
        %min3A_248 = arith.constant 1.000000e+00 : f32
        %min3A_249 = vector.broadcast %min3A_248 : f32 to vector<16xf32>
        %min3A_250 = arith.minimumf %abs3A_247, %min3A_249 : vector<16xf32>
        %mul3A_251 = arith.constant 5.000000e-01 : f32
        %mul3A_252 = vector.broadcast %mul3A_251 : f32 to vector<16xf32>
        %mul3A_253 = arith.mulf %mul3A_252, %min3A_250 : vector<16xf32>
        %sub3A_254 = arith.subf %abs3A_247, %mul3A_253 : vector<16xf32>
        %mul3A_255 = arith.mulf %min3A_250, %sub3A_254 : vector<16xf32>
        %add3A_256 = arith.addf %add3A_231, %mul3A_255 : vector<16xf32>
        %mul3A_257 = arith.constant 16 : i32
        %mul3A_258 = arith.muli %scan3A_82, %mul3A_257 : i32
        %get3A_259 = arith.constant 7 : i32
        %get3A_260 = arith.index_cast %get3A_259 : i32 to index
        %get3A_261 = arith.index_cast %mul3A_258 : i32 to index
        %get3A_262 = tpu.vector_load %arg5[%get3A_260, %get3A_261] {strides = array<i32>} : memref<8x1536xf32, #tpu.memory_space<vmem>>, vector<1x16xf32>,
        %get3A_263 = vector.shape_cast %get3A_262 : vector<1x16xf32> to vector<16xf32>
        %mul3A_264 = arith.constant 16 : i32
        %mul3A_265 = arith.muli %scan3A_82, %mul3A_264 : i32
        %get3A_266 = arith.constant 7 : i32
        %get3A_267 = arith.index_cast %get3A_266 : i32 to index
        %get3A_268 = arith.index_cast %mul3A_265 : i32 to index
        %get3A_269 = tpu.vector_load %arg6[%get3A_267, %get3A_268] {strides = array<i32>} : memref<8x1536xf32, #tpu.memory_space<vmem>>, vector<1x16xf32>,
        %get3A_270 = vector.shape_cast %get3A_269 : vector<1x16xf32> to vector<16xf32>
        %sub3A_271 = arith.subf %get3A_263, %get3A_270 : vector<16xf32>
        %abs3A_272 = math.absf %sub3A_271 : vector<16xf32>
        %min3A_273 = arith.constant 1.000000e+00 : f32
        %min3A_274 = vector.broadcast %min3A_273 : f32 to vector<16xf32>
        %min3A_275 = arith.minimumf %abs3A_272, %min3A_274 : vector<16xf32>
        %mul3A_276 = arith.constant 5.000000e-01 : f32
        %mul3A_277 = vector.broadcast %mul3A_276 : f32 to vector<16xf32>
        %mul3A_278 = arith.mulf %mul3A_277, %min3A_275 : vector<16xf32>
        %sub3A_279 = arith.subf %abs3A_272, %mul3A_278 : vector<16xf32>
        %mul3A_280 = arith.mulf %min3A_275, %sub3A_279 : vector<16xf32>
        %add3A_281 = arith.addf %add3A_256, %mul3A_280 : vector<16xf32>
        %mul3A_282 = arith.constant 16 : i32
        %mul3A_283 = arith.muli %scan3A_82, %mul3A_282 : i32
        %swap3A = arith.constant 0 : i32
        %swap3A_284 = arith.index_cast %swap3A : i32 to index
        %swap3A_285 = arith.index_cast %mul3A_283 : i32 to index
        %swap3A_286 = tpu.vector_load %arg7[%swap3A_284, %swap3A_285] {strides = array<i32>} : memref<1x1536xf32, #tpu.memory_space<vmem>>, vector<1x16xf32>,
        %swap3A_287 = vector.shape_cast %swap3A_286 : vector<1x16xf32> to vector<16xf32>
        %swap3A_288 = vector.shape_cast %add3A_281 : vector<16xf32> to vector<1x16xf32>
        tpu.vector_store %arg7[%swap3A_284, %swap3A_285], %swap3A_288 {strides = array<i32>} : memref<1x1536xf32, #tpu.memory_space<vmem>>, vector<1x16xf32>,
        %scan3A_289 = arith.constant 0 : i32
        scf.yield %scan3A_289 : i32
      }
      %scan3A_81 = arith.constant 8 : i32
      "tpu.region"() ({
        %run_scoped3A = tpu.sem_alloc : memref<!tpu.dma_semaphore, #tpu.memory_space<semaphore_mem>>
        %dma_start3A_82 = arith.constant 0 : i32
        %dma_start3A_83 = arith.constant 0 : i32
        %dma_start3A_84 = tpu.memref_slice %arg7[%dma_start3A_82, %dma_start3A_83] : memref<1x1536xf32, #tpu.memory_space<vmem>> -> memref<1x128xf32, #tpu.memory_space<vmem>>
        %dma_start3A_85 = arith.constant 0 : i32
        %dma_start3A_86 = tpu.memref_slice %arg4[%select_n3A, %dma_start3A_85, %multiple_of3A_44] : memref<2x1x50000xf32, #tpu.memory_space<hbm>> -> memref<1x1x128xf32, #tpu.memory_space<hbm>>
        %dma_start3A_87 = tpu.memref_squeeze %dma_start3A_86 : memref<1x1x128xf32, #tpu.memory_space<hbm>> -> memref<1x128xf32, #tpu.memory_space<hbm>>
        %dma_start3A_88 = arith.constant 0 : i32
        %dma_start3A_89 = tpu.memref_slice %arg4[%select_n3A, %dma_start3A_88, %multiple_of3A_44] : memref<2x1x50000xf32, #tpu.memory_space<hbm>> -> memref<1x1x128xf32, #tpu.memory_space<hbm>>
        %dma_start3A_90 = tpu.memref_squeeze %dma_start3A_89 : memref<1x1x128xf32, #tpu.memory_space<hbm>> -> memref<1x128xf32, #tpu.memory_space<hbm>>
        %dma_start3A_91 = arith.constant 0 : i32
        %dma_start3A_92 = arith.constant 0 : i32
        %dma_start3A_93 = tpu.memref_slice %arg7[%dma_start3A_91, %dma_start3A_92] : memref<1x1536xf32, #tpu.memory_space<vmem>> -> memref<1x128xf32, #tpu.memory_space<vmem>>
        tpu.enqueue_dma source(%dma_start3A_93 : memref<1x128xf32, #tpu.memory_space<vmem>>) target(%dma_start3A_90 : memref<1x128xf32, #tpu.memory_space<hbm>>) target_semaphore(%run_scoped3A : memref<!tpu.dma_semaphore, #tpu.memory_space<semaphore_mem>>)
        %dma_wait3A_94 = arith.constant 0 : i32
        %dma_wait3A_95 = arith.constant 0 : i32
        %dma_wait3A_96 = tpu.memref_slice %arg7[%dma_wait3A_94, %dma_wait3A_95] : memref<1x1536xf32, #tpu.memory_space<vmem>> -> memref<1x128xf32, #tpu.memory_space<vmem>>
        %dma_wait3A_97 = arith.constant 0 : i32
        %dma_wait3A_98 = tpu.memref_slice %arg4[%select_n3A, %dma_wait3A_97, %multiple_of3A_44] : memref<2x1x50000xf32, #tpu.memory_space<hbm>> -> memref<1x1x128xf32, #tpu.memory_space<hbm>>
        %dma_wait3A_99 = tpu.memref_squeeze %dma_wait3A_98 : memref<1x1x128xf32, #tpu.memory_space<hbm>> -> memref<1x128xf32, #tpu.memory_space<hbm>>
        %dma_wait3A_100 = arith.constant 0 : i32
        %dma_wait3A_101 = tpu.memref_slice %arg4[%select_n3A, %dma_wait3A_100, %multiple_of3A_44] : memref<2x1x50000xf32, #tpu.memory_space<hbm>> -> memref<1x1x128xf32, #tpu.memory_space<hbm>>
        %dma_wait3A_102 = tpu.memref_squeeze %dma_wait3A_101 : memref<1x1x128xf32, #tpu.memory_space<hbm>> -> memref<1x128xf32, #tpu.memory_space<hbm>>
        %dma_wait3A_103 = arith.constant 0 : i32
        %dma_wait3A_104 = arith.constant 0 : i32
        %dma_wait3A_105 = tpu.memref_slice %arg7[%dma_wait3A_103, %dma_wait3A_104] : memref<1x1536xf32, #tpu.memory_space<vmem>> -> memref<1x128xf32, #tpu.memory_space<vmem>>
        tpu.wait_dma2 semaphore(%run_scoped3A : memref<!tpu.dma_semaphore, #tpu.memory_space<semaphore_mem>>) src(%dma_wait3A_105 : memref<1x128xf32, #tpu.memory_space<vmem>>) dst(%dma_wait3A_102 : memref<1x128xf32, #tpu.memory_space<hbm>>)
        tpu.yield
      }) : () -> ()
    } else {
    }
    return
  }
}

module attributes {stable_mosaic.version = 14 : i64} {
  func.func @_tc_body(%arg0: memref<128x50000xf32, #tpu.memory_space<any>>, %arg1: memref<128x50000xf32, #tpu.memory_space<any>>, %arg2: memref<16x1x50000xf32, #tpu.memory_space<vmem>>, %arg3: memref<16x50000xi32, #tpu.memory_space<vmem>>, %arg4: memref<3xf32, #tpu.memory_space<smem>>, %arg5: memref<2x1x50000xf32, #tpu.memory_space<vmem>>, %arg6: memref<4x8x50000xf32, #tpu.memory_space<vmem>>, %arg7: memref<4x8x50000xf32, #tpu.memory_space<vmem>>, %arg8: memref<16x1x50000xf32, #tpu.memory_space<vmem>>, %arg9: memref<16x80xf32, #tpu.memory_space<vmem>>, %arg10: memref<16x80xf32, #tpu.memory_space<vmem>>, %arg11: memref<4x3x!tpu.dma_semaphore, #tpu.memory_space<semaphore_mem>>) attributes {dimension_semantics = [], scalar_prefetch = 0 : i64, scratch_operands = 6 : i64, tpu.core_type = #tpu.core_type<tc>} {
    %dma_start3A = arith.constant 0 : i32
    %dma_start3A_0 = arith.constant 0 : i32
    %dma_start3A_1 = arith.constant 0 : i32
    %dma_start3A_2 = tpu.memref_slice %arg11[%dma_start3A_0, %dma_start3A_1] : memref<4x3x!tpu.dma_semaphore, #tpu.memory_space<semaphore_mem>> -> memref<1x1x!tpu.dma_semaphore, #tpu.memory_space<semaphore_mem>>
    %dma_start3A_3 = tpu.memref_squeeze %dma_start3A_2 : memref<1x1x!tpu.dma_semaphore, #tpu.memory_space<semaphore_mem>> -> memref<!tpu.dma_semaphore, #tpu.memory_space<semaphore_mem>>
    %dma_start3A_4 = arith.constant 0 : i32
    %dma_start3A_5 = arith.constant 0 : i32
    %dma_start3A_6 = tpu.memref_slice %arg6[%dma_start3A, %dma_start3A_4, %dma_start3A_5] : memref<4x8x50000xf32, #tpu.memory_space<vmem>> -> memref<1x8x50000xf32, #tpu.memory_space<vmem>>
    %dma_start3A_7 = tpu.memref_squeeze %dma_start3A_6 : memref<1x8x50000xf32, #tpu.memory_space<vmem>> -> memref<8x50000xf32, #tpu.memory_space<vmem>>
    %dma_start3A_8 = arith.constant 0 : i32
    %dma_start3A_9 = arith.constant 0 : i32
    %dma_start3A_10 = tpu.memref_slice %arg0[%dma_start3A_8, %dma_start3A_9] : memref<128x50000xf32, #tpu.memory_space<any>> -> memref<8x50000xf32, #tpu.memory_space<any>>
    tpu.enqueue_dma source(%dma_start3A_10 : memref<8x50000xf32, #tpu.memory_space<any>>) target(%dma_start3A_7 : memref<8x50000xf32, #tpu.memory_space<vmem>>) target_semaphore(%dma_start3A_3 : memref<!tpu.dma_semaphore, #tpu.memory_space<semaphore_mem>>)
    %dma_start3A_11 = arith.constant 0 : i32
    %dma_start3A_12 = arith.constant 0 : i32
    %dma_start3A_13 = arith.constant 1 : i32
    %dma_start3A_14 = tpu.memref_slice %arg11[%dma_start3A_12, %dma_start3A_13] : memref<4x3x!tpu.dma_semaphore, #tpu.memory_space<semaphore_mem>> -> memref<1x1x!tpu.dma_semaphore, #tpu.memory_space<semaphore_mem>>
    %dma_start3A_15 = tpu.memref_squeeze %dma_start3A_14 : memref<1x1x!tpu.dma_semaphore, #tpu.memory_space<semaphore_mem>> -> memref<!tpu.dma_semaphore, #tpu.memory_space<semaphore_mem>>
    %dma_start3A_16 = arith.constant 0 : i32
    %dma_start3A_17 = arith.constant 0 : i32
    %dma_start3A_18 = tpu.memref_slice %arg7[%dma_start3A_11, %dma_start3A_16, %dma_start3A_17] : memref<4x8x50000xf32, #tpu.memory_space<vmem>> -> memref<1x8x50000xf32, #tpu.memory_space<vmem>>
    %dma_start3A_19 = tpu.memref_squeeze %dma_start3A_18 : memref<1x8x50000xf32, #tpu.memory_space<vmem>> -> memref<8x50000xf32, #tpu.memory_space<vmem>>
    %dma_start3A_20 = arith.constant 0 : i32
    %dma_start3A_21 = arith.constant 0 : i32
    %dma_start3A_22 = tpu.memref_slice %arg1[%dma_start3A_20, %dma_start3A_21] : memref<128x50000xf32, #tpu.memory_space<any>> -> memref<8x50000xf32, #tpu.memory_space<any>>
    tpu.enqueue_dma source(%dma_start3A_22 : memref<8x50000xf32, #tpu.memory_space<any>>) target(%dma_start3A_19 : memref<8x50000xf32, #tpu.memory_space<vmem>>) target_semaphore(%dma_start3A_15 : memref<!tpu.dma_semaphore, #tpu.memory_space<semaphore_mem>>)
    %dma_start3A_23 = arith.constant 1 : i32
    %dma_start3A_24 = arith.constant 1 : i32
    %dma_start3A_25 = arith.constant 0 : i32
    %dma_start3A_26 = tpu.memref_slice %arg11[%dma_start3A_24, %dma_start3A_25] : memref<4x3x!tpu.dma_semaphore, #tpu.memory_space<semaphore_mem>> -> memref<1x1x!tpu.dma_semaphore, #tpu.memory_space<semaphore_mem>>
    %dma_start3A_27 = tpu.memref_squeeze %dma_start3A_26 : memref<1x1x!tpu.dma_semaphore, #tpu.memory_space<semaphore_mem>> -> memref<!tpu.dma_semaphore, #tpu.memory_space<semaphore_mem>>
    %dma_start3A_28 = arith.constant 0 : i32
    %dma_start3A_29 = arith.constant 0 : i32
    %dma_start3A_30 = tpu.memref_slice %arg6[%dma_start3A_23, %dma_start3A_28, %dma_start3A_29] : memref<4x8x50000xf32, #tpu.memory_space<vmem>> -> memref<1x8x50000xf32, #tpu.memory_space<vmem>>
    %dma_start3A_31 = tpu.memref_squeeze %dma_start3A_30 : memref<1x8x50000xf32, #tpu.memory_space<vmem>> -> memref<8x50000xf32, #tpu.memory_space<vmem>>
    %dma_start3A_32 = arith.constant 8 : i32
    %dma_start3A_33 = arith.constant 0 : i32
    %dma_start3A_34 = tpu.memref_slice %arg0[%dma_start3A_32, %dma_start3A_33] : memref<128x50000xf32, #tpu.memory_space<any>> -> memref<8x50000xf32, #tpu.memory_space<any>>
    tpu.enqueue_dma source(%dma_start3A_34 : memref<8x50000xf32, #tpu.memory_space<any>>) target(%dma_start3A_31 : memref<8x50000xf32, #tpu.memory_space<vmem>>) target_semaphore(%dma_start3A_27 : memref<!tpu.dma_semaphore, #tpu.memory_space<semaphore_mem>>)
    %dma_start3A_35 = arith.constant 1 : i32
    %dma_start3A_36 = arith.constant 1 : i32
    %dma_start3A_37 = arith.constant 1 : i32
    %dma_start3A_38 = tpu.memref_slice %arg11[%dma_start3A_36, %dma_start3A_37] : memref<4x3x!tpu.dma_semaphore, #tpu.memory_space<semaphore_mem>> -> memref<1x1x!tpu.dma_semaphore, #tpu.memory_space<semaphore_mem>>
    %dma_start3A_39 = tpu.memref_squeeze %dma_start3A_38 : memref<1x1x!tpu.dma_semaphore, #tpu.memory_space<semaphore_mem>> -> memref<!tpu.dma_semaphore, #tpu.memory_space<semaphore_mem>>
    %dma_start3A_40 = arith.constant 0 : i32
    %dma_start3A_41 = arith.constant 0 : i32
    %dma_start3A_42 = tpu.memref_slice %arg7[%dma_start3A_35, %dma_start3A_40, %dma_start3A_41] : memref<4x8x50000xf32, #tpu.memory_space<vmem>> -> memref<1x8x50000xf32, #tpu.memory_space<vmem>>
    %dma_start3A_43 = tpu.memref_squeeze %dma_start3A_42 : memref<1x8x50000xf32, #tpu.memory_space<vmem>> -> memref<8x50000xf32, #tpu.memory_space<vmem>>
    %dma_start3A_44 = arith.constant 8 : i32
    %dma_start3A_45 = arith.constant 0 : i32
    %dma_start3A_46 = tpu.memref_slice %arg1[%dma_start3A_44, %dma_start3A_45] : memref<128x50000xf32, #tpu.memory_space<any>> -> memref<8x50000xf32, #tpu.memory_space<any>>
    tpu.enqueue_dma source(%dma_start3A_46 : memref<8x50000xf32, #tpu.memory_space<any>>) target(%dma_start3A_43 : memref<8x50000xf32, #tpu.memory_space<vmem>>) target_semaphore(%dma_start3A_39 : memref<!tpu.dma_semaphore, #tpu.memory_space<semaphore_mem>>)
    %dma_start3A_47 = arith.constant 2 : i32
    %dma_start3A_48 = arith.constant 2 : i32
    %dma_start3A_49 = arith.constant 0 : i32
    %dma_start3A_50 = tpu.memref_slice %arg11[%dma_start3A_48, %dma_start3A_49] : memref<4x3x!tpu.dma_semaphore, #tpu.memory_space<semaphore_mem>> -> memref<1x1x!tpu.dma_semaphore, #tpu.memory_space<semaphore_mem>>
    %dma_start3A_51 = tpu.memref_squeeze %dma_start3A_50 : memref<1x1x!tpu.dma_semaphore, #tpu.memory_space<semaphore_mem>> -> memref<!tpu.dma_semaphore, #tpu.memory_space<semaphore_mem>>
    %dma_start3A_52 = arith.constant 0 : i32
    %dma_start3A_53 = arith.constant 0 : i32
    %dma_start3A_54 = tpu.memref_slice %arg6[%dma_start3A_47, %dma_start3A_52, %dma_start3A_53] : memref<4x8x50000xf32, #tpu.memory_space<vmem>> -> memref<1x8x50000xf32, #tpu.memory_space<vmem>>
    %dma_start3A_55 = tpu.memref_squeeze %dma_start3A_54 : memref<1x8x50000xf32, #tpu.memory_space<vmem>> -> memref<8x50000xf32, #tpu.memory_space<vmem>>
    %dma_start3A_56 = arith.constant 16 : i32
    %dma_start3A_57 = arith.constant 0 : i32
    %dma_start3A_58 = tpu.memref_slice %arg0[%dma_start3A_56, %dma_start3A_57] : memref<128x50000xf32, #tpu.memory_space<any>> -> memref<8x50000xf32, #tpu.memory_space<any>>
    tpu.enqueue_dma source(%dma_start3A_58 : memref<8x50000xf32, #tpu.memory_space<any>>) target(%dma_start3A_55 : memref<8x50000xf32, #tpu.memory_space<vmem>>) target_semaphore(%dma_start3A_51 : memref<!tpu.dma_semaphore, #tpu.memory_space<semaphore_mem>>)
    %dma_start3A_59 = arith.constant 2 : i32
    %dma_start3A_60 = arith.constant 2 : i32
    %dma_start3A_61 = arith.constant 1 : i32
    %dma_start3A_62 = tpu.memref_slice %arg11[%dma_start3A_60, %dma_start3A_61] : memref<4x3x!tpu.dma_semaphore, #tpu.memory_space<semaphore_mem>> -> memref<1x1x!tpu.dma_semaphore, #tpu.memory_space<semaphore_mem>>
    %dma_start3A_63 = tpu.memref_squeeze %dma_start3A_62 : memref<1x1x!tpu.dma_semaphore, #tpu.memory_space<semaphore_mem>> -> memref<!tpu.dma_semaphore, #tpu.memory_space<semaphore_mem>>
    %dma_start3A_64 = arith.constant 0 : i32
    %dma_start3A_65 = arith.constant 0 : i32
    %dma_start3A_66 = tpu.memref_slice %arg7[%dma_start3A_59, %dma_start3A_64, %dma_start3A_65] : memref<4x8x50000xf32, #tpu.memory_space<vmem>> -> memref<1x8x50000xf32, #tpu.memory_space<vmem>>
    %dma_start3A_67 = tpu.memref_squeeze %dma_start3A_66 : memref<1x8x50000xf32, #tpu.memory_space<vmem>> -> memref<8x50000xf32, #tpu.memory_space<vmem>>
    %dma_start3A_68 = arith.constant 16 : i32
    %dma_start3A_69 = arith.constant 0 : i32
    %dma_start3A_70 = tpu.memref_slice %arg1[%dma_start3A_68, %dma_start3A_69] : memref<128x50000xf32, #tpu.memory_space<any>> -> memref<8x50000xf32, #tpu.memory_space<any>>
    tpu.enqueue_dma source(%dma_start3A_70 : memref<8x50000xf32, #tpu.memory_space<any>>) target(%dma_start3A_67 : memref<8x50000xf32, #tpu.memory_space<vmem>>) target_semaphore(%dma_start3A_63 : memref<!tpu.dma_semaphore, #tpu.memory_space<semaphore_mem>>)
    %dma_start3A_71 = arith.constant 3 : i32
    %dma_start3A_72 = arith.constant 3 : i32
    %dma_start3A_73 = arith.constant 0 : i32
    %dma_start3A_74 = tpu.memref_slice %arg11[%dma_start3A_72, %dma_start3A_73] : memref<4x3x!tpu.dma_semaphore, #tpu.memory_space<semaphore_mem>> -> memref<1x1x!tpu.dma_semaphore, #tpu.memory_space<semaphore_mem>>
    %dma_start3A_75 = tpu.memref_squeeze %dma_start3A_74 : memref<1x1x!tpu.dma_semaphore, #tpu.memory_space<semaphore_mem>> -> memref<!tpu.dma_semaphore, #tpu.memory_space<semaphore_mem>>
    %dma_start3A_76 = arith.constant 0 : i32
    %dma_start3A_77 = arith.constant 0 : i32
    %dma_start3A_78 = tpu.memref_slice %arg6[%dma_start3A_71, %dma_start3A_76, %dma_start3A_77] : memref<4x8x50000xf32, #tpu.memory_space<vmem>> -> memref<1x8x50000xf32, #tpu.memory_space<vmem>>
    %dma_start3A_79 = tpu.memref_squeeze %dma_start3A_78 : memref<1x8x50000xf32, #tpu.memory_space<vmem>> -> memref<8x50000xf32, #tpu.memory_space<vmem>>
    %dma_start3A_80 = arith.constant 24 : i32
    %dma_start3A_81 = arith.constant 0 : i32
    %dma_start3A_82 = tpu.memref_slice %arg0[%dma_start3A_80, %dma_start3A_81] : memref<128x50000xf32, #tpu.memory_space<any>> -> memref<8x50000xf32, #tpu.memory_space<any>>
    tpu.enqueue_dma source(%dma_start3A_82 : memref<8x50000xf32, #tpu.memory_space<any>>) target(%dma_start3A_79 : memref<8x50000xf32, #tpu.memory_space<vmem>>) target_semaphore(%dma_start3A_75 : memref<!tpu.dma_semaphore, #tpu.memory_space<semaphore_mem>>)
    %dma_start3A_83 = arith.constant 3 : i32
    %dma_start3A_84 = arith.constant 3 : i32
    %dma_start3A_85 = arith.constant 1 : i32
    %dma_start3A_86 = tpu.memref_slice %arg11[%dma_start3A_84, %dma_start3A_85] : memref<4x3x!tpu.dma_semaphore, #tpu.memory_space<semaphore_mem>> -> memref<1x1x!tpu.dma_semaphore, #tpu.memory_space<semaphore_mem>>
    %dma_start3A_87 = tpu.memref_squeeze %dma_start3A_86 : memref<1x1x!tpu.dma_semaphore, #tpu.memory_space<semaphore_mem>> -> memref<!tpu.dma_semaphore, #tpu.memory_space<semaphore_mem>>
    %dma_start3A_88 = arith.constant 0 : i32
    %dma_start3A_89 = arith.constant 0 : i32
    %dma_start3A_90 = tpu.memref_slice %arg7[%dma_start3A_83, %dma_start3A_88, %dma_start3A_89] : memref<4x8x50000xf32, #tpu.memory_space<vmem>> -> memref<1x8x50000xf32, #tpu.memory_space<vmem>>
    %dma_start3A_91 = tpu.memref_squeeze %dma_start3A_90 : memref<1x8x50000xf32, #tpu.memory_space<vmem>> -> memref<8x50000xf32, #tpu.memory_space<vmem>>
    %dma_start3A_92 = arith.constant 24 : i32
    %dma_start3A_93 = arith.constant 0 : i32
    %dma_start3A_94 = tpu.memref_slice %arg1[%dma_start3A_92, %dma_start3A_93] : memref<128x50000xf32, #tpu.memory_space<any>> -> memref<8x50000xf32, #tpu.memory_space<any>>
    tpu.enqueue_dma source(%dma_start3A_94 : memref<8x50000xf32, #tpu.memory_space<any>>) target(%dma_start3A_91 : memref<8x50000xf32, #tpu.memory_space<vmem>>) target_semaphore(%dma_start3A_87 : memref<!tpu.dma_semaphore, #tpu.memory_space<semaphore_mem>>)
    %get3A = arith.constant 0 : index
    %get3A_95 = arith.constant 0 : index
    %get3A_96 = vector.load %arg3[%get3A, %get3A_95] : memref<16x50000xi32, #tpu.memory_space<vmem>>, vector<16x50000xi32>
    %iota3A = tpu.iota {dimensions = array<i32: 1>} : vector<16x50000xi32>
    %lt3A = arith.constant 50000 : i32
    %lt3A_97 = vector.broadcast %lt3A : i32 to vector<16x50000xi32>
    %lt3A_98 = arith.cmpi slt, %iota3A, %lt3A_97 : vector<16x50000xi32>
    %eq3A = arith.constant 1 : i32
    %eq3A_99 = vector.broadcast %eq3A : i32 to vector<16x50000xi32>
    %eq3A_100 = arith.cmpi eq, %get3A_96, %eq3A_99 : vector<16x50000xi32>
    %and3A = arith.andi %lt3A_98, %eq3A_100 : vector<16x50000xi1>
    %convert_element_type3A = arith.extui %and3A : vector<16x50000xi1> to vector<16x50000xi32>
    %convert_element_type3A_101 = arith.sitofp %convert_element_type3A : vector<16x50000xi32> to vector<16x50000xf32>
    %gt3A = arith.constant 0 : i32
    %gt3A_102 = vector.broadcast %gt3A : i32 to vector<16x50000xi32>
    %gt3A_103 = arith.cmpi sgt, %get3A_96, %gt3A_102 : vector<16x50000xi32>
    %and3A_104 = arith.andi %lt3A_98, %gt3A_103 : vector<16x50000xi1>
    %convert_element_type3A_105 = arith.extui %and3A_104 : vector<16x50000xi1> to vector<16x50000xi32>
    %convert_element_type3A_106 = arith.sitofp %convert_element_type3A_105 : vector<16x50000xi32> to vector<16x50000xf32>
    %get3A_107 = arith.constant 0 : index
    %get3A_108 = arith.constant 0 : index
    %get3A_109 = arith.constant 0 : index
    %get3A_110 = vector.load %arg2[%get3A_107, %get3A_108, %get3A_109] : memref<16x1x50000xf32, #tpu.memory_space<vmem>>, vector<16x1x50000xf32>
    %reshape3A = vector.shape_cast %get3A_110 : vector<16x1x50000xf32> to vector<16x50000xf32>
    %mul3A = arith.constant 2.000000e+00 : f32
    %mul3A_111 = vector.broadcast %mul3A : f32 to vector<16x50000xf32>
    %mul3A_112 = arith.mulf %mul3A_111, %reshape3A : vector<16x50000xf32>
    %mul3A_113 = arith.constant 2.000000e+00 : f32
    %mul3A_114 = vector.broadcast %mul3A_113 : f32 to vector<16x50000xf32>
    %mul3A_115 = arith.mulf %mul3A_114, %convert_element_type3A_101 : vector<16x50000xf32>
    %sub3A = arith.constant 1.000000e+00 : f32
    %sub3A_116 = vector.broadcast %sub3A : f32 to vector<16x50000xf32>
    %sub3A_117 = arith.subf %mul3A_115, %sub3A_116 : vector<16x50000xf32>
    %mul3A_118 = arith.mulf %mul3A_112, %sub3A_117 : vector<16x50000xf32>
    %add3A = arith.constant 1.000000e+00 : f32
    %add3A_119 = vector.broadcast %add3A : f32 to vector<16x50000xf32>
    %add3A_120 = arith.addf %mul3A_118, %add3A_119 : vector<16x50000xf32>
    %abs3A = math.absf %add3A_120 : vector<16x50000xf32>
    %neg3A = arith.constant 0.000000e+00 : f32
    %neg3A_121 = vector.broadcast %neg3A : f32 to vector<16x50000xf32>
    %neg3A_122 = arith.subf %neg3A_121, %abs3A : vector<16x50000xf32>
    %exp3A = math.exp %neg3A_122 : vector<16x50000xf32>
    %add3A_123 = arith.constant 1.000000e+00 : f32
    %add3A_124 = vector.broadcast %add3A_123 : f32 to vector<16x50000xf32>
    %add3A_125 = arith.addf %add3A_124, %exp3A : vector<16x50000xf32>
    %log3A = math.log %add3A_125 : vector<16x50000xf32>
    %min3A = arith.constant 0.000000e+00 : f32
    %min3A_126 = vector.broadcast %min3A : f32 to vector<16x50000xf32>
    %min3A_127 = arith.minimumf %add3A_120, %min3A_126 : vector<16x50000xf32>
    %sub3A_128 = arith.subf %log3A, %min3A_127 : vector<16x50000xf32>
    %mul3A_129 = arith.constant 5.000000e-01 : f32
    %mul3A_130 = vector.broadcast %mul3A_129 : f32 to vector<16x50000xf32>
    %mul3A_131 = arith.mulf %mul3A_130, %convert_element_type3A_101 : vector<16x50000xf32>
    %sub3A_132 = arith.constant 7.500000e-01 : f32
    %sub3A_133 = vector.broadcast %sub3A_132 : f32 to vector<16x50000xf32>
    %sub3A_134 = arith.subf %sub3A_133, %mul3A_131 : vector<16x50000xf32>
    %gt3A_135 = arith.constant -1 : i32
    %gt3A_136 = vector.broadcast %gt3A_135 : i32 to vector<16x50000xi32>
    %gt3A_137 = arith.cmpi sgt, %get3A_96, %gt3A_136 : vector<16x50000xi32>
    %and3A_138 = arith.andi %lt3A_98, %gt3A_137 : vector<16x50000xi1>
    %mul3A_139 = arith.mulf %sub3A_134, %sub3A_128 : vector<16x50000xf32>
    %jit3A = arith.constant 0.000000e+00 : f32
    %broadcast_in_dim3A = vector.broadcast %jit3A : f32 to vector<16x50000xf32>
    %select_n3A = arith.select %and3A_138, %mul3A_139, %broadcast_in_dim3A : vector<16x50000xi1>, vector<16x50000xf32>
    %reduce_sum3A = vector.shape_cast %select_n3A : vector<16x50000xf32> to vector<1x16x50000xf32>
    %reduce_sum3A_140 = arith.constant dense<0.000000e+00> : vector<1xf32>
    %reduce_sum3A_141 = vector.multi_reduction <add>, %reduce_sum3A, %reduce_sum3A_140 [1, 2] : vector<1x16x50000xf32> to vector<1xf32>
    %reduce_sum3A_142 = vector.shape_cast %reduce_sum3A_141 : vector<1xf32> to vector<1x1x1xf32>
    %reduce_sum3A_143 = vector.extract %reduce_sum3A_142[0, 0, 0] : f32 from vector<1x1x1xf32>
    %mul3A_144 = arith.constant 5.000000e-01 : f32
    %mul3A_145 = arith.mulf %mul3A_144, %reduce_sum3A_143 : f32
    %reduce_sum3A_146 = vector.shape_cast %convert_element_type3A_106 : vector<16x50000xf32> to vector<1x16x50000xf32>
    %reduce_sum3A_147 = arith.constant dense<0.000000e+00> : vector<1xf32>
    %reduce_sum3A_148 = vector.multi_reduction <add>, %reduce_sum3A_146, %reduce_sum3A_147 [1, 2] : vector<1x16x50000xf32> to vector<1xf32>
    %reduce_sum3A_149 = vector.shape_cast %reduce_sum3A_148 : vector<1xf32> to vector<1x1x1xf32>
    %reduce_sum3A_150 = vector.extract %reduce_sum3A_149[0, 0, 0] : f32 from vector<1x1x1xf32>
    %reshape3A_151 = vector.shape_cast %convert_element_type3A_106 : vector<16x50000xf32> to vector<16x1x50000xf32>
    %swap3A = arith.constant 0 : index
    %swap3A_152 = arith.constant 0 : index
    %swap3A_153 = arith.constant 0 : index
    %swap3A_154 = vector.load %arg8[%swap3A, %swap3A_152, %swap3A_153] : memref<16x1x50000xf32, #tpu.memory_space<vmem>>, vector<16x1x50000xf32>
    tpu.vector_store %arg8[%swap3A, %swap3A_152, %swap3A_153], %reshape3A_151 {strides = array<i32>} : memref<16x1x50000xf32, #tpu.memory_space<vmem>>, vector<16x1x50000xf32>,
    %slice3A = vector.extract_strided_slice %reshape3A_151 {offsets = [14, 0, 0], sizes = [2, 1, 50000], strides = [1, 1, 1]} : vector<16x1x50000xf32> to vector<2x1x50000xf32>
    %swap3A_155 = arith.constant 0 : index
    %swap3A_156 = arith.constant 0 : index
    %swap3A_157 = arith.constant 0 : index
    %swap3A_158 = vector.load %arg5[%swap3A_155, %swap3A_156, %swap3A_157] : memref<2x1x50000xf32, #tpu.memory_space<vmem>>, vector<2x1x50000xf32>
    tpu.vector_store %arg5[%swap3A_155, %swap3A_156, %swap3A_157], %slice3A {strides = array<i32>} : memref<2x1x50000xf32, #tpu.memory_space<vmem>>, vector<2x1x50000xf32>,
    %scan3A = arith.constant 0.000000e+00 : f32
    %scan3A_159 = arith.constant 0 : i32
    %scan3A_160 = arith.constant 14 : i32
    %scan3A_161 = arith.addi %scan3A_159, %scan3A_160 : i32
    %scan3A_162 = arith.constant 1 : i32
    %scan3A_163 = scf.for %scan3A_229 = %scan3A_159 to %scan3A_161 step %scan3A_162 iter_args(%scan3A_230 = %scan3A) -> (f32)  : i32 {
      %rem3A = arith.constant 4 : i32
      %rem3A_231 = arith.remsi %scan3A_229, %rem3A : i32
      %mul3A_232 = arith.constant 8 : i32
      %mul3A_233 = arith.muli %scan3A_229, %mul3A_232 : i32
      %mul3A_234 = arith.constant 8 : i32
      %mul3A_235 = arith.muli %scan3A_229, %mul3A_234 : i32
      %dma_wait3A_236 = arith.constant 0 : i32
      %dma_wait3A_237 = tpu.memref_slice %arg11[%rem3A_231, %dma_wait3A_236] : memref<4x3x!tpu.dma_semaphore, #tpu.memory_space<semaphore_mem>> -> memref<1x1x!tpu.dma_semaphore, #tpu.memory_space<semaphore_mem>>
      %dma_wait3A_238 = tpu.memref_squeeze %dma_wait3A_237 : memref<1x1x!tpu.dma_semaphore, #tpu.memory_space<semaphore_mem>> -> memref<!tpu.dma_semaphore, #tpu.memory_space<semaphore_mem>>
      %dma_wait3A_239 = arith.constant 0 : i32
      %dma_wait3A_240 = arith.constant 0 : i32
      %dma_wait3A_241 = tpu.memref_slice %arg6[%rem3A_231, %dma_wait3A_239, %dma_wait3A_240] : memref<4x8x50000xf32, #tpu.memory_space<vmem>> -> memref<1x8x50000xf32, #tpu.memory_space<vmem>>
      %dma_wait3A_242 = tpu.memref_squeeze %dma_wait3A_241 : memref<1x8x50000xf32, #tpu.memory_space<vmem>> -> memref<8x50000xf32, #tpu.memory_space<vmem>>
      %dma_wait3A_243 = arith.constant 0 : i32
      %dma_wait3A_244 = tpu.memref_slice %arg0[%mul3A_233, %dma_wait3A_243] : memref<128x50000xf32, #tpu.memory_space<any>> -> memref<8x50000xf32, #tpu.memory_space<any>>
      tpu.wait_dma2 semaphore(%dma_wait3A_238 : memref<!tpu.dma_semaphore, #tpu.memory_space<semaphore_mem>>) src(%dma_wait3A_244 : memref<8x50000xf32, #tpu.memory_space<any>>) dst(%dma_wait3A_242 : memref<8x50000xf32, #tpu.memory_space<vmem>>)
      %dma_wait3A_245 = arith.constant 1 : i32
      %dma_wait3A_246 = tpu.memref_slice %arg11[%rem3A_231, %dma_wait3A_245] : memref<4x3x!tpu.dma_semaphore, #tpu.memory_space<semaphore_mem>> -> memref<1x1x!tpu.dma_semaphore, #tpu.memory_space<semaphore_mem>>
      %dma_wait3A_247 = tpu.memref_squeeze %dma_wait3A_246 : memref<1x1x!tpu.dma_semaphore, #tpu.memory_space<semaphore_mem>> -> memref<!tpu.dma_semaphore, #tpu.memory_space<semaphore_mem>>
      %dma_wait3A_248 = arith.constant 0 : i32
      %dma_wait3A_249 = arith.constant 0 : i32
      %dma_wait3A_250 = tpu.memref_slice %arg7[%rem3A_231, %dma_wait3A_248, %dma_wait3A_249] : memref<4x8x50000xf32, #tpu.memory_space<vmem>> -> memref<1x8x50000xf32, #tpu.memory_space<vmem>>
      %dma_wait3A_251 = tpu.memref_squeeze %dma_wait3A_250 : memref<1x8x50000xf32, #tpu.memory_space<vmem>> -> memref<8x50000xf32, #tpu.memory_space<vmem>>
      %dma_wait3A_252 = arith.constant 0 : i32
      %dma_wait3A_253 = tpu.memref_slice %arg1[%mul3A_235, %dma_wait3A_252] : memref<128x50000xf32, #tpu.memory_space<any>> -> memref<8x50000xf32, #tpu.memory_space<any>>
      tpu.wait_dma2 semaphore(%dma_wait3A_247 : memref<!tpu.dma_semaphore, #tpu.memory_space<semaphore_mem>>) src(%dma_wait3A_253 : memref<8x50000xf32, #tpu.memory_space<any>>) dst(%dma_wait3A_251 : memref<8x50000xf32, #tpu.memory_space<vmem>>)
      %get3A_254 = arith.index_cast %rem3A_231 : i32 to index
      %get3A_255 = arith.constant 0 : index
      %get3A_256 = arith.constant 0 : index
      %get3A_257 = vector.load %arg6[%get3A_254, %get3A_255, %get3A_256] : memref<4x8x50000xf32, #tpu.memory_space<vmem>>, vector<1x8x50000xf32>
      %get3A_258 = vector.shape_cast %get3A_257 : vector<1x8x50000xf32> to vector<8x50000xf32>
      %get3A_259 = arith.index_cast %rem3A_231 : i32 to index
      %get3A_260 = arith.constant 0 : index
      %get3A_261 = arith.constant 0 : index
      %get3A_262 = vector.load %arg7[%get3A_259, %get3A_260, %get3A_261] : memref<4x8x50000xf32, #tpu.memory_space<vmem>>, vector<1x8x50000xf32>
      %get3A_263 = vector.shape_cast %get3A_262 : vector<1x8x50000xf32> to vector<8x50000xf32>
      %sub3A_264 = arith.subf %get3A_258, %get3A_263 : vector<8x50000xf32>
      %add3A_265 = arith.constant 4 : i32
      %add3A_266 = arith.addi %scan3A_229, %add3A_265 : i32
      %lt3A_267 = arith.constant 14 : i32
      %lt3A_268 = arith.cmpi slt, %add3A_266, %lt3A_267 : i32
      %convert_element_type3A_269 = arith.extui %lt3A_268 : i1 to i32
      %cond3A = arith.constant 0 : i32
      %cond3A_270 = arith.cmpi ne, %convert_element_type3A_269, %cond3A : i32
      scf.if %cond3A_270 {
        %rem3A_304 = arith.constant 4 : i32
        %rem3A_305 = arith.remsi %add3A_266, %rem3A_304 : i32
        %mul3A_306 = arith.constant 8 : i32
        %mul3A_307 = arith.muli %add3A_266, %mul3A_306 : i32
        %mul3A_308 = arith.constant 8 : i32
        %mul3A_309 = arith.muli %add3A_266, %mul3A_308 : i32
        %dma_start3A_310 = arith.constant 0 : i32
        %dma_start3A_311 = tpu.memref_slice %arg11[%rem3A_305, %dma_start3A_310] : memref<4x3x!tpu.dma_semaphore, #tpu.memory_space<semaphore_mem>> -> memref<1x1x!tpu.dma_semaphore, #tpu.memory_space<semaphore_mem>>
        %dma_start3A_312 = tpu.memref_squeeze %dma_start3A_311 : memref<1x1x!tpu.dma_semaphore, #tpu.memory_space<semaphore_mem>> -> memref<!tpu.dma_semaphore, #tpu.memory_space<semaphore_mem>>
        %dma_start3A_313 = arith.constant 0 : i32
        %dma_start3A_314 = arith.constant 0 : i32
        %dma_start3A_315 = tpu.memref_slice %arg6[%rem3A_305, %dma_start3A_313, %dma_start3A_314] : memref<4x8x50000xf32, #tpu.memory_space<vmem>> -> memref<1x8x50000xf32, #tpu.memory_space<vmem>>
        %dma_start3A_316 = tpu.memref_squeeze %dma_start3A_315 : memref<1x8x50000xf32, #tpu.memory_space<vmem>> -> memref<8x50000xf32, #tpu.memory_space<vmem>>
        %dma_start3A_317 = arith.constant 0 : i32
        %dma_start3A_318 = tpu.memref_slice %arg0[%mul3A_307, %dma_start3A_317] : memref<128x50000xf32, #tpu.memory_space<any>> -> memref<8x50000xf32, #tpu.memory_space<any>>
        tpu.enqueue_dma source(%dma_start3A_318 : memref<8x50000xf32, #tpu.memory_space<any>>) target(%dma_start3A_316 : memref<8x50000xf32, #tpu.memory_space<vmem>>) target_semaphore(%dma_start3A_312 : memref<!tpu.dma_semaphore, #tpu.memory_space<semaphore_mem>>)
        %dma_start3A_319 = arith.constant 1 : i32
        %dma_start3A_320 = tpu.memref_slice %arg11[%rem3A_305, %dma_start3A_319] : memref<4x3x!tpu.dma_semaphore, #tpu.memory_space<semaphore_mem>> -> memref<1x1x!tpu.dma_semaphore, #tpu.memory_space<semaphore_mem>>
        %dma_start3A_321 = tpu.memref_squeeze %dma_start3A_320 : memref<1x1x!tpu.dma_semaphore, #tpu.memory_space<semaphore_mem>> -> memref<!tpu.dma_semaphore, #tpu.memory_space<semaphore_mem>>
        %dma_start3A_322 = arith.constant 0 : i32
        %dma_start3A_323 = arith.constant 0 : i32
        %dma_start3A_324 = tpu.memref_slice %arg7[%rem3A_305, %dma_start3A_322, %dma_start3A_323] : memref<4x8x50000xf32, #tpu.memory_space<vmem>> -> memref<1x8x50000xf32, #tpu.memory_space<vmem>>
        %dma_start3A_325 = tpu.memref_squeeze %dma_start3A_324 : memref<1x8x50000xf32, #tpu.memory_space<vmem>> -> memref<8x50000xf32, #tpu.memory_space<vmem>>
        %dma_start3A_326 = arith.constant 0 : i32
        %dma_start3A_327 = tpu.memref_slice %arg1[%mul3A_309, %dma_start3A_326] : memref<128x50000xf32, #tpu.memory_space<any>> -> memref<8x50000xf32, #tpu.memory_space<any>>
        tpu.enqueue_dma source(%dma_start3A_327 : memref<8x50000xf32, #tpu.memory_space<any>>) target(%dma_start3A_325 : memref<8x50000xf32, #tpu.memory_space<vmem>>) target_semaphore(%dma_start3A_321 : memref<!tpu.dma_semaphore, #tpu.memory_space<semaphore_mem>>)
      } else {
      }
      %abs3A_271 = math.absf %sub3A_264 : vector<8x50000xf32>
      %min3A_272 = arith.constant 1.000000e+00 : f32
      %min3A_273 = vector.broadcast %min3A_272 : f32 to vector<8x50000xf32>
      %min3A_274 = arith.minimumf %abs3A_271, %min3A_273 : vector<8x50000xf32>
      %mul3A_275 = arith.constant 5.000000e-01 : f32
      %mul3A_276 = vector.broadcast %mul3A_275 : f32 to vector<8x50000xf32>
      %mul3A_277 = arith.mulf %mul3A_276, %min3A_274 : vector<8x50000xf32>
      %sub3A_278 = arith.subf %abs3A_271, %mul3A_277 : vector<8x50000xf32>
      %mul3A_279 = arith.mulf %min3A_274, %sub3A_278 : vector<8x50000xf32>
      %reshape3A_280 = vector.shape_cast %mul3A_279 : vector<8x50000xf32> to vector<1x8x50000xf32>
      %reduce_sum3A_281 = arith.constant dense<0.000000e+00> : vector<1x50000xf32>
      %reduce_sum3A_282 = vector.multi_reduction <add>, %reshape3A_280, %reduce_sum3A_281 [1] : vector<1x8x50000xf32> to vector<1x50000xf32>
      %iota3A_283 = tpu.iota {dimensions = array<i32: 1>} : vector<1x50000xi32>
      %lt3A_284 = arith.constant 50000 : i32
      %lt3A_285 = vector.broadcast %lt3A_284 : i32 to vector<1x50000xi32>
      %lt3A_286 = arith.cmpi slt, %iota3A_283, %lt3A_285 : vector<1x50000xi32>
      %jit3A_287 = arith.constant 0.000000e+00 : f32
      %broadcast_in_dim3A_288 = vector.broadcast %jit3A_287 : f32 to vector<1x50000xf32>
      %select_n3A_289 = arith.select %lt3A_286, %reduce_sum3A_282, %broadcast_in_dim3A_288 : vector<1x50000xi1>, vector<1x50000xf32>
      %mul3A_290 = arith.constant 1 : i32
      %mul3A_291 = arith.muli %scan3A_229, %mul3A_290 : i32
      %get3A_292 = arith.index_cast %mul3A_291 : i32 to index
      %get3A_293 = arith.constant 0 : index
      %get3A_294 = arith.constant 0 : index
      %get3A_295 = vector.load %arg8[%get3A_292, %get3A_293, %get3A_294] : memref<16x1x50000xf32, #tpu.memory_space<vmem>>, vector<1x1x50000xf32>
      %get3A_296 = vector.shape_cast %get3A_295 : vector<1x1x50000xf32> to vector<1x50000xf32>
      %mul3A_297 = arith.mulf %select_n3A_289, %get3A_296 : vector<1x50000xf32>
      %reduce_sum3A_298 = vector.shape_cast %mul3A_297 : vector<1x50000xf32> to vector<1x1x50000xf32>
      %reduce_sum3A_299 = arith.constant dense<0.000000e+00> : vector<1xf32>
      %reduce_sum3A_300 = vector.multi_reduction <add>, %reduce_sum3A_298, %reduce_sum3A_299 [1, 2] : vector<1x1x50000xf32> to vector<1xf32>
      %reduce_sum3A_301 = vector.shape_cast %reduce_sum3A_300 : vector<1xf32> to vector<1x1x1xf32>
      %reduce_sum3A_302 = vector.extract %reduce_sum3A_301[0, 0, 0] : f32 from vector<1x1x1xf32>
      %add3A_303 = arith.addf %scan3A_230, %reduce_sum3A_302 : f32
      scf.yield %add3A_303 : f32
    }
    %scan3A_164 = arith.constant 14 : i32
    %dma_start3A_165 = arith.constant 0 : i32
    %dma_start3A_166 = arith.constant 2 : i32
    %dma_start3A_167 = tpu.memref_slice %arg11[%dma_start3A_165, %dma_start3A_166] : memref<4x3x!tpu.dma_semaphore, #tpu.memory_space<semaphore_mem>> -> memref<1x1x!tpu.dma_semaphore, #tpu.memory_space<semaphore_mem>>
    %dma_start3A_168 = tpu.memref_squeeze %dma_start3A_167 : memref<1x1x!tpu.dma_semaphore, #tpu.memory_space<semaphore_mem>> -> memref<!tpu.dma_semaphore, #tpu.memory_space<semaphore_mem>>
    %dma_start3A_169 = arith.constant 112 : i32
    %dma_start3A_170 = arith.constant 49920 : i32
    %dma_start3A_171 = tpu.memref_slice %arg0[%dma_start3A_169, %dma_start3A_170] : memref<128x50000xf32, #tpu.memory_space<any>> -> memref<16x80xf32, #tpu.memory_space<any>>
    tpu.enqueue_dma source(%dma_start3A_171 : memref<16x80xf32, #tpu.memory_space<any>>) target(%arg9 : memref<16x80xf32, #tpu.memory_space<vmem>>) target_semaphore(%dma_start3A_168 : memref<!tpu.dma_semaphore, #tpu.memory_space<semaphore_mem>>)
    %dma_start3A_172 = arith.constant 1 : i32
    %dma_start3A_173 = arith.constant 2 : i32
    %dma_start3A_174 = tpu.memref_slice %arg11[%dma_start3A_172, %dma_start3A_173] : memref<4x3x!tpu.dma_semaphore, #tpu.memory_space<semaphore_mem>> -> memref<1x1x!tpu.dma_semaphore, #tpu.memory_space<semaphore_mem>>
    %dma_start3A_175 = tpu.memref_squeeze %dma_start3A_174 : memref<1x1x!tpu.dma_semaphore, #tpu.memory_space<semaphore_mem>> -> memref<!tpu.dma_semaphore, #tpu.memory_space<semaphore_mem>>
    %dma_start3A_176 = arith.constant 112 : i32
    %dma_start3A_177 = arith.constant 49920 : i32
    %dma_start3A_178 = tpu.memref_slice %arg1[%dma_start3A_176, %dma_start3A_177] : memref<128x50000xf32, #tpu.memory_space<any>> -> memref<16x80xf32, #tpu.memory_space<any>>
    tpu.enqueue_dma source(%dma_start3A_178 : memref<16x80xf32, #tpu.memory_space<any>>) target(%arg10 : memref<16x80xf32, #tpu.memory_space<vmem>>) target_semaphore(%dma_start3A_175 : memref<!tpu.dma_semaphore, #tpu.memory_space<semaphore_mem>>)
    %dma_wait3A = arith.constant 0 : i32
    %dma_wait3A_179 = arith.constant 2 : i32
    %dma_wait3A_180 = tpu.memref_slice %arg11[%dma_wait3A, %dma_wait3A_179] : memref<4x3x!tpu.dma_semaphore, #tpu.memory_space<semaphore_mem>> -> memref<1x1x!tpu.dma_semaphore, #tpu.memory_space<semaphore_mem>>
    %dma_wait3A_181 = tpu.memref_squeeze %dma_wait3A_180 : memref<1x1x!tpu.dma_semaphore, #tpu.memory_space<semaphore_mem>> -> memref<!tpu.dma_semaphore, #tpu.memory_space<semaphore_mem>>
    %dma_wait3A_182 = arith.constant 112 : i32
    %dma_wait3A_183 = arith.constant 49920 : i32
    %dma_wait3A_184 = tpu.memref_slice %arg0[%dma_wait3A_182, %dma_wait3A_183] : memref<128x50000xf32, #tpu.memory_space<any>> -> memref<16x80xf32, #tpu.memory_space<any>>
    tpu.wait_dma2 semaphore(%dma_wait3A_181 : memref<!tpu.dma_semaphore, #tpu.memory_space<semaphore_mem>>) src(%dma_wait3A_184 : memref<16x80xf32, #tpu.memory_space<any>>) dst(%arg9 : memref<16x80xf32, #tpu.memory_space<vmem>>)
    %dma_wait3A_185 = arith.constant 1 : i32
    %dma_wait3A_186 = arith.constant 2 : i32
    %dma_wait3A_187 = tpu.memref_slice %arg11[%dma_wait3A_185, %dma_wait3A_186] : memref<4x3x!tpu.dma_semaphore, #tpu.memory_space<semaphore_mem>> -> memref<1x1x!tpu.dma_semaphore, #tpu.memory_space<semaphore_mem>>
    %dma_wait3A_188 = tpu.memref_squeeze %dma_wait3A_187 : memref<1x1x!tpu.dma_semaphore, #tpu.memory_space<semaphore_mem>> -> memref<!tpu.dma_semaphore, #tpu.memory_space<semaphore_mem>>
    %dma_wait3A_189 = arith.constant 112 : i32
    %dma_wait3A_190 = arith.constant 49920 : i32
    %dma_wait3A_191 = tpu.memref_slice %arg1[%dma_wait3A_189, %dma_wait3A_190] : memref<128x50000xf32, #tpu.memory_space<any>> -> memref<16x80xf32, #tpu.memory_space<any>>
    tpu.wait_dma2 semaphore(%dma_wait3A_188 : memref<!tpu.dma_semaphore, #tpu.memory_space<semaphore_mem>>) src(%dma_wait3A_191 : memref<16x80xf32, #tpu.memory_space<any>>) dst(%arg10 : memref<16x80xf32, #tpu.memory_space<vmem>>)
    %get3A_192 = arith.constant 0 : index
    %get3A_193 = arith.constant 0 : index
    %get3A_194 = vector.load %arg9[%get3A_192, %get3A_193] : memref<16x80xf32, #tpu.memory_space<vmem>>, vector<16x80xf32>
    %get3A_195 = arith.constant 0 : index
    %get3A_196 = arith.constant 0 : index
    %get3A_197 = vector.load %arg10[%get3A_195, %get3A_196] : memref<16x80xf32, #tpu.memory_space<vmem>>, vector<16x80xf32>
    %sub3A_198 = arith.subf %get3A_194, %get3A_197 : vector<16x80xf32>
    %abs3A_199 = math.absf %sub3A_198 : vector<16x80xf32>
    %min3A_200 = arith.constant 1.000000e+00 : f32
    %min3A_201 = vector.broadcast %min3A_200 : f32 to vector<16x80xf32>
    %min3A_202 = arith.minimumf %abs3A_199, %min3A_201 : vector<16x80xf32>
    %mul3A_203 = arith.constant 5.000000e-01 : f32
    %mul3A_204 = vector.broadcast %mul3A_203 : f32 to vector<16x80xf32>
    %mul3A_205 = arith.mulf %mul3A_204, %min3A_202 : vector<16x80xf32>
    %sub3A_206 = arith.subf %abs3A_199, %mul3A_205 : vector<16x80xf32>
    %mul3A_207 = arith.mulf %min3A_202, %sub3A_206 : vector<16x80xf32>
    %reshape3A_208 = vector.shape_cast %mul3A_207 : vector<16x80xf32> to vector<2x8x80xf32>
    %reduce_sum3A_209 = arith.constant dense<0.000000e+00> : vector<2x80xf32>
    %reduce_sum3A_210 = vector.multi_reduction <add>, %reshape3A_208, %reduce_sum3A_209 [1] : vector<2x8x80xf32> to vector<2x80xf32>
    %get3A_211 = arith.constant 14 : index
    %get3A_212 = arith.constant 0 : index
    %get3A_213 = arith.constant 49920 : index
    %get3A_214 = vector.load %arg8[%get3A_211, %get3A_212, %get3A_213] : memref<16x1x50000xf32, #tpu.memory_space<vmem>>, vector<2x1x80xf32>
    %get3A_215 = vector.shape_cast %get3A_214 : vector<2x1x80xf32> to vector<2x80xf32>
    %mul3A_216 = arith.mulf %reduce_sum3A_210, %get3A_215 : vector<2x80xf32>
    %reduce_sum3A_217 = vector.shape_cast %mul3A_216 : vector<2x80xf32> to vector<1x2x80xf32>
    %reduce_sum3A_218 = arith.constant dense<0.000000e+00> : vector<1xf32>
    %reduce_sum3A_219 = vector.multi_reduction <add>, %reduce_sum3A_217, %reduce_sum3A_218 [1, 2] : vector<1x2x80xf32> to vector<1xf32>
    %reduce_sum3A_220 = vector.shape_cast %reduce_sum3A_219 : vector<1xf32> to vector<1x1x1xf32>
    %reduce_sum3A_221 = vector.extract %reduce_sum3A_220[0, 0, 0] : f32 from vector<1x1x1xf32>
    %add3A_222 = arith.addf %scan3A_163, %reduce_sum3A_221 : f32
    %swap3A_223 = arith.constant 0 : index
    %swap3A_224 = memref.load %arg4[%swap3A_223] : memref<3xf32, #tpu.memory_space<smem>>
    memref.store %add3A_222, %arg4[%swap3A_223] : memref<3xf32, #tpu.memory_space<smem>>
    %swap3A_225 = arith.constant 1 : index
    %swap3A_226 = memref.load %arg4[%swap3A_225] : memref<3xf32, #tpu.memory_space<smem>>
    memref.store %mul3A_145, %arg4[%swap3A_225] : memref<3xf32, #tpu.memory_space<smem>>
    %swap3A_227 = arith.constant 2 : index
    %swap3A_228 = memref.load %arg4[%swap3A_227] : memref<3xf32, #tpu.memory_space<smem>>
    memref.store %reduce_sum3A_150, %arg4[%swap3A_227] : memref<3xf32, #tpu.memory_space<smem>>
    return
  }
}

module attributes {stable_mosaic.version = 14 : i64} {
  func.func @_tail_body(%arg0: memref<2x1x50000xf32, #tpu.memory_space<vmem>>, %arg1: memref<2x1x50000xf32, #tpu.memory_space<vmem>>, %arg2: memref<1xf32, #tpu.memory_space<smem>>) attributes {dimension_semantics = [], scalar_prefetch = 0 : i64, scratch_operands = 0 : i64, tpu.core_type = #tpu.core_type<tc>} {
    %get3A = arith.constant 0 : index
    %get3A_0 = arith.constant 0 : index
    %get3A_1 = arith.constant 0 : index
    %get3A_2 = vector.load %arg0[%get3A, %get3A_0, %get3A_1] : memref<2x1x50000xf32, #tpu.memory_space<vmem>>, vector<2x1x50000xf32>
    %get3A_3 = arith.constant 0 : index
    %get3A_4 = arith.constant 0 : index
    %get3A_5 = arith.constant 0 : index
    %get3A_6 = vector.load %arg1[%get3A_3, %get3A_4, %get3A_5] : memref<2x1x50000xf32, #tpu.memory_space<vmem>>, vector<2x1x50000xf32>
    %iota3A = tpu.iota {dimensions = array<i32: 2>} : vector<2x1x50000xi32>
    %lt3A = arith.constant 49920 : i32
    %lt3A_7 = vector.broadcast %lt3A : i32 to vector<2x1x50000xi32>
    %lt3A_8 = arith.cmpi slt, %iota3A, %lt3A_7 : vector<2x1x50000xi32>
    %mul3A = arith.mulf %get3A_2, %get3A_6 : vector<2x1x50000xf32>
    %jit3A = arith.constant 0.000000e+00 : f32
    %broadcast_in_dim3A = vector.broadcast %jit3A : f32 to vector<2x1x50000xf32>
    %select_n3A = arith.select %lt3A_8, %mul3A, %broadcast_in_dim3A : vector<2x1x50000xi1>, vector<2x1x50000xf32>
    %reduce_sum3A = vector.shape_cast %select_n3A : vector<2x1x50000xf32> to vector<1x2x1x50000xf32>
    %reduce_sum3A_9 = arith.constant dense<0.000000e+00> : vector<1xf32>
    %reduce_sum3A_10 = vector.multi_reduction <add>, %reduce_sum3A, %reduce_sum3A_9 [1, 2, 3] : vector<1x2x1x50000xf32> to vector<1xf32>
    %reduce_sum3A_11 = vector.shape_cast %reduce_sum3A_10 : vector<1xf32> to vector<1x1x1x1xf32>
    %reduce_sum3A_12 = vector.extract %reduce_sum3A_11[0, 0, 0, 0] : f32 from vector<1x1x1x1xf32>
    %swap3A = arith.constant 0 : index
    %swap3A_13 = memref.load %arg2[%swap3A] : memref<1xf32, #tpu.memory_space<smem>>
    memref.store %reduce_sum3A_12, %arg2[%swap3A] : memref<1xf32, #tpu.memory_space<smem>>
    return
  }
}

</mosaic_0001>

<sc_bundles>
// kernel: kernel.5.cloned.1.call-start
scs
__scs_entry_jumppad:
0x0: {  	(pc) =	sbr.rel $0x88, $3  }
0x1: {  	(tag) =	ssettag $0x0;
	lr =	simm.s32 $0x1  }
0x2: {  	[smem:$0x3F9D] =	sst lr;
	_ =	strace $0xD0000000  }
0x3: {  	_ = 	snop  }
0x4: {  	_ = 	snop  }
0x5: {  	_ = 	snop  }
0x6: {  	_ = 	snop  }
0x7: {  	_ = 	snop  }
__scs_overlays_trampoline_lowered:
0x8: {  	[smem:$0x3FAC] =	sst s0  }
0x9: {  	[smem:$0x3FAD] =	sst s1  }
0xa: {  	[smem:$0x3FAE] =	sst s2  }
0xb: {  	[smem:$0x3FAF] =	sst s3  }
0xc: {  	[smem:$0x3FB0] =	sst s4  }
0xd: {  	[smem:$0x3FB1] =	sst s5  }
0xe: {  	[smem:$0x3FB2] =	sst s6  }
0xf: {  	[smem:$0x3FB3] =	sst s7  }
0x10: {  	[smem:$0x3FB4] =	sst s8  }
0x11: {  	[smem:$0x3FB5] =	sst s9;
	s0 =	simm.s32 @!p0 $0x0  }
0x12: {  	s1 =	sld [smem:$0x3F9B];
	s0 =	simm.s32 @p0 $0x1  }
0x13: {  	[smem:$0x3FB6] =	sst s0;
	s0 =	simm.s32 @!p1 $0x0  }
0x14: {  	s2 =	sld [smem:$0x3F9A];
	s0 =	simm.s32 @p1 $0x1  }
0x15: {  	[smem:$0x3FB7] =	sst s0;
	s0 =	simm.s32 @!p2 $0x0  }
0x16: {  	s3 =	sld [smem:$0x3FDB];
	s0 =	simm.s32 @p2 $0x1  }
0x17: {  	s4 =	simm.s32 $0x1BF5;
	[smem:$0x3FB9] =	sst s0  }
0x18: {  	s0 =	sld [smem:$0x3F9C];
	_ =	swait.ge [sflag:s4], $0x0  }
0x19: {  	s7 =	sld [smem:$0x3F9D]  }
0x1a: {  	s8 =	sadd.s32 $0xFFFFE003, lr  }
0x1b: {  	s9 =	sadd.s32 $0xFFFFFEF7, lr;
	s5 =	simm.s32 $0xFFFFFFFF;
	p2 =	slt.u32 s8, $0xFFFFF086  }
0x1c: {  	p1 =	slt.u32 s9, $0xF7A;
	s5 =	simm.s32 @!p2 $0x0  }
0x1d: {  	s5 =	simm.s32 @p1 $0x1;
	p0 =	seq.s32 s7, s2  }
0x1e: {  	s7 =	smul.u32 @!p0 $0xF7A, s2;
	p2 =	seq.s32 @!p0 s5, $0x0  }
0x1f: {  	s9 =	smul.u32 $0xF7A, s1;
	s8 =	simm.s32 @!p0 $0x1BF5;
	p2 =	por !p2, p0  }
0x20: {  	[sflag:s8] =	ssyncset.s32 @!p0 $0xFFFFF086;
	s6 =	sadd.s32 @!p0 s3, s7;
	s7 =	simm.s32 @!p0 $0x108  }
0x21: {  	s3 =	sadd.s32 s3, s9;
	s6 =	sadd.s32 @!p0 $0x88, s6;
	s7 =	simm.s32 @p2 $0x1082  }
0x22: {  	[simem:s7], [sflag:s8] =	dma.local @!p0 [hbm:s6], $0xF7A  }
0x23: {  	s9 =	sor.u32 $0xD0000000, s2;
	s6 =	simm.s32 $0x108;
	_ =	swait.ge @!p0 [sflag:s8], $0x0  }
0x24: {  	s3 =	sadd.s32 $0x88, s3;
	s6 =	simm.s32 @!p1 $0x1082;
	[sflag:s4] =	ssyncset.s32 $0xFFFFF086  }
0x25: {  	[simem:s6], [sflag:s4] =	dma.local [hbm:s3], $0xF7A  }
0x26: {  	[smem:$0x3F9D] =	sst s1;
	(tag) =	ssettag s2;
	_ =	strace s9  }
0x27: {  	s1 =	sld [smem:$0x3FAD]  }
0x28: {  	s2 =	sld [smem:$0x3FAE]  }
0x29: {  	s4 =	sld [smem:$0x3FB0]  }
0x2a: {  	p0 =	seq.s32 s5, $0x0;
	s5 =	sld [smem:$0x3FB1]  }
0x2b: {  	s6 =	sld [smem:$0x3FB2]  }
0x2c: {  	s7 =	sld [smem:$0x3FB3]  }
0x2d: {  	s3 =	simm.s32 $0x108;
	s8 =	sld [smem:$0x3FB4]  }
0x2e: {  	s3 =	simm.s32 @!p0 $0x1082;
	s9 =	sld [smem:$0x3FB5]  }
0x2f: {  	lr =	sadd.s32 s0, s3;
	s0 =	sld [smem:$0x3FAC]  }
0x30: {  	s3 =	sld [smem:$0x3FAF]  }
0x31: {  	[smem:$0x3FB8] =	sst s10  }
0x32: {  	s10 =	sld [smem:$0x3FB6];
	_ =	sdelay $0x3  }
0x33: {  	p0 =	seq.s32 s10, $0x1;
	s10 =	sld [smem:$0x3FB8];
	_ =	sdelay $0x3  }
0x34: {  	[smem:$0x3FB8] =	sst s10  }
0x35: {  	s10 =	sld [smem:$0x3FB7];
	_ =	sdelay $0x3  }
0x36: {  	p1 =	seq.s32 s10, $0x1;
	s10 =	sld [smem:$0x3FB8];
	_ =	sdelay $0x3  }
0x37: {  	[smem:$0x3FB8] =	sst s10  }
0x38: {  	s10 =	sld [smem:$0x3FB9]  }
0x39: {  	_ = 	snop;
	(pc) =	sbr.ind lr, $3  }
0x3a: {  	_ = 	snop  }
0x3b: {  	_ = 	snop  }
0x3c: {  	p2 =	seq.s32 s10, $0x1;
	s10 =	sld [smem:$0x3FB8]  }
0x3d: {  	_ =	shalt  }
0x3e: {  	_ =	shalt  }
0x3f: {  	_ =	shalt  }
0x40: {  	_ =	shalt  }
0x41: {  	_ =	shalt  }
0x42: {  	_ =	shalt  }
0x43: {  	_ =	shalt  }
0x44: {  	_ =	shalt  }
0x45: {  	_ =	shalt  }
0x46: {  	_ =	shalt  }
0x47: {  	_ =	shalt  }
0x48: {  	_ =	shalt  }
0x49: {  	_ =	shalt  }
0x4a: {  	_ =	shalt  }
0x4b: {  	_ =	shalt  }
0x4c: {  	_ =	shalt  }
0x4d: {  	_ =	shalt  }
0x4e: {  	_ =	shalt  }
0x4f: {  	_ =	shalt  }
0x50: {  	_ =	shalt  }
0x51: {  	_ =	shalt  }
0x52: {  	_ =	shalt  }
0x53: {  	_ =	shalt  }
0x54: {  	_ =	shalt  }
0x55: {  	_ =	shalt  }
0x56: {  	_ =	shalt  }
0x57: {  	_ =	shalt  }
0x58: {  	_ =	shalt  }
0x59: {  	_ =	shalt  }
0x5a: {  	_ =	shalt  }
0x5b: {  	_ =	shalt  }
0x5c: {  	_ =	shalt  }
0x5d: {  	_ =	shalt  }
0x5e: {  	_ =	shalt  }
0x5f: {  	_ =	shalt  }
0x60: {  	_ =	shalt  }
0x61: {  	_ =	shalt  }
0x62: {  	_ =	shalt  }
0x63: {  	_ =	shalt  }
0x64: {  	_ =	shalt  }
0x65: {  	_ =	shalt  }
0x66: {  	_ =	shalt  }
0x67: {  	_ =	shalt  }
0x68: {  	_ =	shalt  }
0x69: {  	_ =	shalt  }
0x6a: {  	_ =	shalt  }
0x6b: {  	_ =	shalt  }
0x6c: {  	_ =	shalt  }
0x6d: {  	_ =	shalt  }
0x6e: {  	_ =	shalt  }
0x6f: {  	_ =	shalt  }
0x70: {  	_ =	shalt  }
0x71: {  	_ =	shalt  }
0x72: {  	_ =	shalt  }
0x73: {  	_ =	shalt  }
0x74: {  	_ =	shalt  }
0x75: {  	_ =	shalt  }
0x76: {  	_ =	shalt  }
0x77: {  	_ =	shalt  }
0x78: {  	_ =	shalt  }
0x79: {  	_ =	shalt  }
0x7a: {  	_ =	shalt  }
0x7b: {  	_ =	shalt  }
0x7c: {  	_ =	shalt  }
0x7d: {  	_ =	shalt  }
0x7e: {  	_ =	shalt  }
0x7f: {  	_ =	shalt  }
0x80: {  	_ =	shalt  }
0x81: {  	_ =	shalt  }
0x82: {  	_ =	shalt  }
0x83: {  	_ =	shalt  }
0x84: {  	_ =	shalt  }
0x85: {  	_ =	shalt  }
0x86: {  	_ =	shalt  }
0x87: {  	_ =	shalt  }
.Lfunc_end0:
.L_simem_size_0:
called_computation_lowered:
.L_overlay_start_0:
0x88: {  	s2 =	sld [smem:$0x3FD9]  }
0x89: {  	s3 =	sld [smem:$0x3FFE];
	_ =	sdelay $0x1  }
0x8a: {  	s1 =	srdreg.scid  }
0x8b: {  	s0 =	sand.u32 $0x1, s1  }
0x8c: {  	s17 =	sshll.u32 s0, $0xA;
	s2 =	sadd.s32 s3, s2  }
0x8d: {  	s2 =	sadd.s32 s2, s17  }
0x8e: {  	[smem:$0x3FC4] =	sst s2  }
0x8f: {  	_ = 	snop  }
0x90: {  	s2 =	sld [smem:$0x3FC9]  }
0x91: {  	s18 =	sld [smem:$0x3FC8];
	(tm) =	ssettm $0x1  }
0x92: {  	s4 =	sld [smem:$0x3FFB];
	_ =	sdelay $0x3  }
0x93: {  	_ =	strace s4  }
0x94: {  	s4 =	sld [smem:$0x3FFC];
	_ =	sdelay $0x3  }
0x95: {  	_ =	strace s4  }
0x96: {  	s4 =	sld [smem:$0x3FFD];
	_ =	sdelay $0x3  }
0x97: {  	_ =	strace s4  }
0x98: {  	_ =	strace $0x8FFFFFFF  }
0x99: {  	s19 =	sld [smem:$0x3FDB];
	_ =	sdelay $0x1  }
0x9a: {  	s5 =	simm.s32 $_scs_section_size  }
0x9b: {  	s6 =	simm.s32 $_size__tile_overlayer_lowered;
	s7 =	simm.s32 $_tile_overlayer_lowered  }
0x9c: {  	s22 =	simm.s32 $0x1BFF;
	s21 =	sshll.u32 s7, $0x1;
	s4 =	sadd.s32 s5, s19  }
0x9d: {  	s8 =	simm.s32 $0x0;
	s20 =	sshll.u32 s6, $0x1;
	s6 =	sadd.s32 s21, s4  }
0x9e: {  	[timem:s8], [sflag:s22] =	dma.local [hbm:s6], s20  }
0x9f: {  	_ =	swait.ge [sflag:s22], s20  }
0xa0: {  	s5 =	ssub.s32 $0x0, s20;
	[sflag:s22] =	ssyncset.done $0x0  }
0xa1: {  	[sflag:s22] =	ssyncadd.s32 s5;
	_ =	sdelay $0x1  }
0xa2: {  	s23 =	simm.s32 $0x1B8B  }
0xa3: {  	_ =	swait.ge [sflag:s23], $0x1  }
0xa4: {  	[sflag:s23] =	ssyncset.done $0x0  }
0xa5: {  	s25 =	simm.s32 $0x1B8E;
	s24 =	sld [smem:$0x3FFE];
	[sflag:s23] =	ssyncadd.s32 $0xFFFFFFFF  }
0xa6: {  	s26 =	simm.s32 $execute0_lowered;
	[smem:$0x3FD2] =	sst s25  }
0xa7: {  	s6 =	sshll.u32 s26, $0x1;
	_ =	strace $0x80000046;
	[dreg:$0x1] =	wrdreg $0xFFFFFFFF  }
0xa8: {  	s28 =	simm.s32 $_size_execute0_lowered;
	s4 =	sadd.s32 s4, s6;
	[dreg:$0x0] =	wrdreg $0x0  }
0xa9: {  	s6 =	sshll.u32 s28, $0x1;
	[dreg:$0x2] =	wrdreg s4  }
0xaa: {  	[dreg:$0x3] =	wrdreg s6  }
0xab: {  	[dreg:$0x4] =	wrdreg $0xC0  }
0xac: {  	_ =	task [dreg:s8], $0x5FFFF  }
0xad: {  	[dreg:$0x1] =	wrdreg $0xFFFFFFFF  }
0xae: {  	[dreg:$0x0] =	wrdreg $0x60  }
0xaf: {  	[dreg:$0x2] =	wrdreg s2  }
0xb0: {  	[dreg:$0x3] =	wrdreg s18  }
0xb1: {  	[dreg:$0x4] =	wrdreg s24  }
0xb2: {  	[dreg:$0x5] =	wrdreg $0x9  }
0xb3: {  	_ =	task.clear_ibuf [dreg:s8], $0x6FFFF;
	_ =	strace $0x90000046  }
0xb4: {  	s29 =	simm.s32 $0x9;
	_ =	strace $0x80000048  }
0xb5: {  	_ =	swait.ge [sflag:s29], $0x1  }
0xb6: {  	[sflag:s29] =	ssyncadd.s32 $0xFFFFFFFF  }
0xb7: {  	_ =	strace $0x90000048  }
0xb8: {  	_ =	sfence  }
0xb9: {  	s30 =	sld [smem:$0x0];
	_ =	sdelay $0x2  }
0xba: {  	s31 =	sshll.u32 s1, $0xD;
	s1 =	sshrl.u32 s1, $0x2  }
0xbb: {  	s3 =	sand.u32 $0x4000, s31;
	s1 =	sadd.s32 s1, s30  }
0xbc: {  	s0 =	sor.u32 s3, s0;
	s1 =	sshll.u32 s1, $0x11  }
0xbd: {  	s0 =	sor.u32 s1, s0  }
0xbe: {  	s0 =	sadd.s32 $0x8F2B, s0  }
0xbf: {  	[sflag:s0] =	ssyncadd.remote.s32 $0x1  }
0xc0: {  	_ =	sfence.sel $0xFFFF  }
0xc1: {  	[dreg:$0x0] =	wrdreg $0xFFFFFFFF;
	(pc) =	sbr.abs _section_cstart, $3  }
0xc2: {  	[dreg:$0x1] =	wrdreg $0xFFFFFFFF  }
0xc3: {  	_ =	task.clear_ibuf [dreg:s8], $0x2FFFF;
	_ =	strace $0x9FFFFFFF  }
0xc4: {  	(tm) =	ssettm $0x7FFFFFFF  }
0xc5: {  	_ =	shalt  }
tec
execute0_lowered:
.L_overlay_start_1:
0x0: {  	(tag) =	ssettag $0x1  }
0x1: {  	s2 =	rddreg [dreg:$0x0]  }
0x2: {  	s3 =	rddreg [dreg:$0x1]  }
0x3: {  	s7 =	rddreg [dreg:$0x2]  }
0x4: {  	s1 =	stileid.u32;
	s5 =	srdreg.scid;
	s4 =	simm.s32 $0x0  }
0x5: {  	s14 =	simm.s32 $0x1;
	s15 =	simm.s32 $0x2;
	s16 =	simm.s32 $0x6000  }
0x6: {  	s17 =	simm.s32 $0x3;
	s18 =	simm.s32 $0x0;
	s6 =	sshll.u32 s1, $0x1  }
0x7: {  	s5 =	sand.u32 $0x1, s5;
	s29 =	sshrl.u32 s1, $0x2;
	s8 =	sand.u32 $0x6, s6  }
0x8: {  	[smem:$0x7FF] =	sst s4;
	s6 =	smul.u32 $0xC380, s29;
	s9 =	sor.u32 s5, s8  }
0x9: {  	s7 =	sadd.s32 $0xE00, s7;
	s10 =	ssub.s32 $0x2, s5;
	s5 =	smul.u32 $0x1880, s9  }
0xa: {  	_ =	strace $0x80000047;
	s11 =	sshrl.u32 s10, $0x1;
	s9 =	smul.u32 $0x1800, s9  }
.Ltmp0:
0xb: {  	p0 =	seq.s32 s8, $0x6;
	s12 =	ssub.s32 s10, s11;
	(pc) =	sbr.rel .LBB2_1-.Ltmp0, $4  }
0xc: {  	s8 =	sadd.s32 $0xAB100, s6;
	s12 =	smax.u32 s12, $0x1;
	s30 =	sadd.s32 $0x1800, s5  }
0xd: {  	s9 =	sor.u32 $0x300, s9;
	s31 =	sadd.s32 s30, s8;
	s10 =	sadd.s32 s6, s30  }
0xe: {  	s5 =	smov.u32 @p0 s9;
	s9 =	sadd.s32 s2, s31;
	s13 =	sshrl.u32 s10, $0x3  }
0xf: {  	s10 =	sadd.s32 s3, s31;
	s11 =	sadd.s32 s7, s13;
	s13 =	simm.s32 $0x3000  }
.LBB2_9:
0x10: {  	s18 =	sadd.s32 $0x1, s18  }
0x11: {  	p1 =	sne.s32 s18, s12  }
.Ltmp1:
0x12: {  	_ = 	snop;
	(pc) =	sbr.rel @!p1 .LBB2_10-.Ltmp1, $1  }
0x13: {  	_ =	sdelay $0x3  }
.LBB2_1:
0x14: {  	s19 =	simm.s32 $0x0  }
.LBB2_2:
0x15: {  	s20 =	smul.u32 $0x600, s19;
	_ =	sdelay $0x1  }
0x16: {  	s20 =	sadd.s32 s5, s20  }
0x17: {  	s21 =	sadd.s32 s8, s20  }
0x18: {  	s23 =	simm.s32 $0x0;
	s22 =	sadd.s32 s2, s21  }
0x19: {  	[tilespmem:s23], [sflag:$0x1] =	stream.linear.gather [hbm4b:s22+s23], $0x3000, $0x38;
	[tilespmem:$0x6600] =	vst v63  }
0x1a: {  	s21 =	sadd.s32 s3, s21  }
0x1b: {  	[tilespmem:s13], [sflag:$0x2] =	stream.linear.gather [hbm4b:s21+s23], $0x3000, $0x38;
	[tilespmem:$0x6600] =	vst v63  }
0x1c: {  	_ =	swait.ge [sflag:s14], $0x3000  }
0x1d: {  	[sflag:s14] =	ssyncset.done $0x0  }
0x1e: {  	[sflag:s14] =	ssyncadd.s32 $0xFFFFD000  }
0x1f: {  	_ =	swait.ge [sflag:s15], $0x3000  }
0x20: {  	s30 =	sand.u32 $0x70, s23;
	s31 =	sand.u32 $0x3C00, s23;
	[sflag:s15] =	ssyncset.done $0x0  }
0x21: {  	s21 =	sor.u32 s30, s31;
	[sflag:s15] =	ssyncadd.s32 $0xFFFFD000  }
0x22: {  	v0 =	vld [tilespmem:s21+$0x0]  }
0x23: {  	v1 =	vld [tilespmem:s21+$0x80]  }
0x24: {  	v2 =	vld [tilespmem:s21+$0x3000]  }
0x25: {  	v3 =	vld [tilespmem:s21+$0x3080]  }
0x26: {  	v4 =	vld [tilespmem:s21+$0x3100]  }
0x27: {  	v5 =	vld [tilespmem:s21+$0x100]  }
0x28: {  	v6 =	vld [tilespmem:s21+$0x3180]  }
0x29: {  	v50 =	vld [tilespmem:s21+$0x200]  }
0x2a: {  	v10 =	vld [tilespmem:s21+$0x280]  }
0x2b: {  	v12 =	vld [tilespmem:s21+$0x3280];
	v0 =	vsub.f32 v0, v2  }
0x2c: {  	v2 =	vld [tilespmem:s21+$0x180];
	v1 =	vsub.f32 v1, v3  }
0x2d: {  	v3 =	vld [tilespmem:s21+$0x3200];
	v4 =	vsub.f32 v5, v4;
	v0 =	vand.u32 $0x7FFFFFFF, v0  }
0x2e: {  	s0 =	sand.u32 $0x7, s23;
	v1 =	vand.u32 $0x7FFFFFFF, v1;
	v7 =	vmin.f32 v0, $1.000000000e+00  }
0x2f: {  	s22 =	sshll.u32 s0, $0x4;
	v4 =	vand.u32 $0x7FFFFFFF, v4;
	v9 =	vmin.f32 v1, $1.000000000e+00;
	v8 =	vmul.f32 $5.000000000e-01, v7  }
0x30: {  	s22 =	sadd.s32 $0x0, s22;
	v52 =	vld [tilespmem:s21+$0x3300];
	v10 =	vsub.f32 v10, v12;
	v51 =	vmin.f32 v4, $1.000000000e+00;
	v11 =	vmul.f32 $5.000000000e-01, v9  }
0x31: {  	s22 =	sor.u32 $0x380, s22;
	v13 =	vld [tilespmem:s21+$0x300];
	v53 =	vmul.f32 $5.000000000e-01, v51;
	v2 =	vsub.f32 v2, v6;
	v0 =	vsub.f32 v0, v8  }
0x32: {  	v55 =	vld [tilespmem:s22+$0x3000];
	v10 =	vand.u32 $0x7FFFFFFF, v10;
	v3 =	vsub.f32 v50, v3;
	v1 =	vsub.f32 v1, v11  }
0x33: {  	v57 =	vld [tilespmem:s22+$0x0];
	v4 =	vsub.f32 v4, v53;
	v2 =	vand.u32 $0x7FFFFFFF, v2;
	v0 =	vmul.f32 v0, v7  }
0x34: {  	v3 =	vand.u32 $0x7FFFFFFF, v3;
	v54 =	vmin.f32 v2, $1.000000000e+00;
	v1 =	vmul.f32 v1, v9  }
0x35: {  	v58 =	vmin.f32 v3, $1.000000000e+00;
	v56 =	vmul.f32 $5.000000000e-01, v54;
	v0 =	vadd.f32 $0.0e+00, v0  }
0x36: {  	v8 =	vsub.f32 v13, v52;
	v4 =	vmul.f32 v4, v51;
	v59 =	vmul.f32 $5.000000000e-01, v58  }
0x37: {  	v2 =	vsub.f32 v2, v56;
	v0 =	vadd.f32 v1, v0;
	v1 =	vmin.f32 v10, $1.000000000e+00  }
0x38: {  	v61 =	vand.u32 $0x7FFFFFFF, v8;
	v7 =	vsub.f32 v57, v55;
	v60 =	vmul.f32 $5.000000000e-01, v1  }
0x39: {  	v3 =	vsub.f32 v3, v59;
	v2 =	vmul.f32 v2, v54;
	v0 =	vadd.f32 v4, v0  }
0x3a: {  	v62 =	vmin.f32 v61, $1.000000000e+00;
	v7 =	vand.u32 $0x7FFFFFFF, v7;
	v5 =	vsub.f32 v10, v60  }
0x3b: {  	v3 =	vmul.f32 v3, v58;
	v0 =	vadd.f32 v2, v0;
	v2 =	vmul.f32 $5.000000000e-01, v62  }
0x3c: {  	v63 =	vmin.f32 v7, $1.000000000e+00;
	v1 =	vmul.f32 v5, v1  }
0x3d: {  	v0 =	vadd.f32 v3, v0;
	v2 =	vsub.f32 v61, v2;
	v3 =	vmul.f32 $5.000000000e-01, v63;
	_ =	sdelay $0x1  }
0x3e: {  	s28 =	simm.s32 $0x6000;
	v0 =	vadd.f32 v1, v0;
	v1 =	vmul.f32 v2, v62;
	v2 =	vsub.f32 v7, v3  }
0x3f: {  	s24 =	simm.s32 $0x80;
	s25 =	simm.s32 $0x1;
	s26 =	simm.s32 $0x6010  }
0x40: {  	s29 =	simm.s32 $0x20;
	s23 =	simm.s32 $0x10;
	s30 =	sand.u32 $0x7, s25;
	v0 =	vadd.f32 v1, v0;
	v1 =	vmul.f32 v2, v63  }
0x41: {  	s31 =	sand.u32 $0x3C00, s24;
	s22 =	sshll.u32 s30, $0x4;
	s21 =	sand.u32 $0x70, s23  }
0x42: {  	s22 =	sadd.s32 $0x80, s22;
	s23 =	sor.u32 s21, s31;
	s21 =	simm.s32 $0x6010;
	v0 =	vadd.f32 v1, v0  }
.LBB2_3:
0x43: {  	s24 =	sadd.s32 $0x80, s24  }
0x44: {  	s25 =	sadd.s32 $0x1, s25;
	s26 =	sadd.s32 $0x10, s26;
	s30 =	smov.u32 s29  }
0x45: {  	p1 =	sne.s32 s29, $0x5F0;
	s29 =	sadd.s32 $0x10, s29;
	s31 =	sand.u32 $0x7, s25;
	[tilespmem:s28+$0x0] =	vst v0  }
0x46: {  	s30 =	sand.u32 $0x70, s30;
	s28 =	sshll.u32 s31, $0x4;
	s31 =	sand.u32 $0x3C00, s24;
	v0 =	vld [tilespmem:s23+$0x0]  }
0x47: {  	s0 =	sadd.s32 s28, s24;
	s30 =	sor.u32 s30, s31;
	v1 =	vld [tilespmem:s23+$0x80];
	s28 =	smov.u32 s21  }
0x48: {  	s21 =	smov.u32 s26;
	v2 =	vld [tilespmem:s23+$0x3000]  }
0x49: {  	v3 =	vld [tilespmem:s23+$0x3080]  }
0x4a: {  	v4 =	vld [tilespmem:s23+$0x3100]  }
0x4b: {  	v5 =	vld [tilespmem:s23+$0x100]  }
0x4c: {  	v6 =	vld [tilespmem:s23+$0x3180]  }
0x4d: {  	v0 =	vsub.f32 v0, v2;
	v2 =	vld [tilespmem:s23+$0x180]  }
0x4e: {  	v1 =	vsub.f32 v1, v3  }
0x4f: {  	v0 =	vand.u32 $0x7FFFFFFF, v0;
	v3 =	vld [tilespmem:s23+$0x3200]  }
0x50: {  	v7 =	vmin.f32 v0, $1.000000000e+00;
	v1 =	vand.u32 $0x7FFFFFFF, v1;
	v4 =	vsub.f32 v5, v4;
	v5 =	vld [tilespmem:s23+$0x200]  }
0x51: {  	v8 =	vmul.f32 $5.000000000e-01, v7;
	v9 =	vmin.f32 v1, $1.000000000e+00;
	v10 =	vld [tilespmem:s23+$0x280]  }
0x52: {  	v11 =	vmul.f32 $5.000000000e-01, v9;
	v4 =	vand.u32 $0x7FFFFFFF, v4;
	v2 =	vsub.f32 v2, v6;
	v6 =	vld [tilespmem:s23+$0x3280]  }
0x53: {  	v0 =	vsub.f32 v0, v8;
	v8 =	vmin.f32 v4, $1.000000000e+00;
	v12 =	vld [tilespmem:s23+$0x3300]  }
0x54: {  	v1 =	vsub.f32 v1, v11;
	v11 =	vmul.f32 $5.000000000e-01, v8;
	v2 =	vand.u32 $0x7FFFFFFF, v2;
	v13 =	vld [tilespmem:s23+$0x300];
	s23 =	smov.u32 s30  }
0x55: {  	s30 =	sor.u32 $0x380, s22;
	s22 =	smov.u32 s0;
	v0 =	vmul.f32 v0, v7;
	v7 =	vmin.f32 v2, $1.000000000e+00;
	v3 =	vsub.f32 v5, v3  }
0x56: {  	v1 =	vmul.f32 v1, v9;
	v4 =	vsub.f32 v4, v11;
	v5 =	vmul.f32 $5.000000000e-01, v7;
	v9 =	vld [tilespmem:s30+$0x3000]  }
0x57: {  	v0 =	vadd.f32 $0.0e+00, v0;
	v3 =	vand.u32 $0x7FFFFFFF, v3;
	v6 =	vsub.f32 v10, v6;
	v10 =	vld [tilespmem:s30+$0x0]  }
0x58: {  	v4 =	vmul.f32 v4, v8;
	v2 =	vsub.f32 v2, v5;
	v5 =	vmin.f32 v3, $1.000000000e+00  }
0x59: {  	v0 =	vadd.f32 v1, v0;
	v1 =	vmul.f32 $5.000000000e-01, v5;
	v6 =	vand.u32 $0x7FFFFFFF, v6  }
0x5a: {  	v8 =	vsub.f32 v13, v12;
	v2 =	vmul.f32 v2, v7;
	v7 =	vmin.f32 v6, $1.000000000e+00  }
0x5b: {  	v0 =	vadd.f32 v4, v0;
	v1 =	vsub.f32 v3, v1;
	v3 =	vmul.f32 $5.000000000e-01, v7  }
0x5c: {  	v4 =	vand.u32 $0x7FFFFFFF, v8;
	v8 =	vsub.f32 v10, v9  }
0x5d: {  	v1 =	vmul.f32 v1, v5;
	v3 =	vsub.f32 v6, v3;
	v5 =	vmin.f32 v4, $1.000000000e+00  }
0x5e: {  	v0 =	vadd.f32 v2, v0;
	v2 =	vmul.f32 $5.000000000e-01, v5;
	v6 =	vand.u32 $0x7FFFFFFF, v8  }
0x5f: {  	v3 =	vmul.f32 v3, v7;
	v7 =	vmin.f32 v6, $1.000000000e+00  }
0x60: {  	v0 =	vadd.f32 v1, v0;
	v1 =	vsub.f32 v4, v2;
	v2 =	vmul.f32 $5.000000000e-01, v7;
	_ =	sdelay $0x1  }
.Ltmp2:
0x61: {  	v0 =	vadd.f32 v3, v0;
	v1 =	vmul.f32 v1, v5;
	v2 =	vsub.f32 v6, v2;
	(pc) =	sbr.rel @p1 .LBB2_3-.Ltmp2, $3  }
0x62: {  	_ = 	snop  }
0x63: {  	v0 =	vadd.f32 v1, v0;
	v1 =	vmul.f32 v2, v7;
	_ =	sdelay $0x1  }
0x64: {  	v0 =	vadd.f32 v1, v0  }
0x65: {  	_ = 	snop  }
0x66: {  	[tilespmem:s28+$0x0] =	vst v0  }
0x67: {  	v0 =	vld [tilespmem:s23+$0x0]  }
0x68: {  	v1 =	vld [tilespmem:s23+$0x80]  }
0x69: {  	v2 =	vld [tilespmem:s23+$0x3000]  }
0x6a: {  	v3 =	vld [tilespmem:s23+$0x3080]  }
0x6b: {  	v4 =	vld [tilespmem:s23+$0x3100]  }
0x6c: {  	v5 =	vld [tilespmem:s23+$0x100]  }
0x6d: {  	v6 =	vld [tilespmem:s23+$0x3180]  }
0x6e: {  	v42 =	vld [tilespmem:s23+$0x180]  }
0x6f: {  	v43 =	vld [tilespmem:s23+$0x3200]  }
0x70: {  	v44 =	vld [tilespmem:s23+$0x200]  }
0x71: {  	v10 =	vld [tilespmem:s23+$0x280]  }
0x72: {  	v12 =	vld [tilespmem:s23+$0x3280];
	v0 =	vsub.f32 v0, v2;
	_ =	sdelay $0x1  }
0x73: {  	v1 =	vsub.f32 v1, v3;
	v0 =	vand.u32 $0x7FFFFFFF, v0  }
0x74: {  	v4 =	vsub.f32 v5, v4;
	v2 =	vsub.f32 v42, v6;
	v7 =	vmin.f32 v0, $1.000000000e+00  }
0x75: {  	v3 =	vsub.f32 v44, v43;
	v1 =	vand.u32 $0x7FFFFFFF, v1;
	v8 =	vmul.f32 $5.000000000e-01, v7  }
0x76: {  	v10 =	vsub.f32 v10, v12;
	v4 =	vand.u32 $0x7FFFFFFF, v4;
	v9 =	vmin.f32 v1, $1.000000000e+00  }
0x77: {  	v46 =	vld [tilespmem:s23+$0x3300];
	v2 =	vand.u32 $0x7FFFFFFF, v2;
	v11 =	vmul.f32 $5.000000000e-01, v9;
	v0 =	vsub.f32 v0, v8  }
0x78: {  	s0 =	sor.u32 $0x380, s22;
	v13 =	vld [tilespmem:s23+$0x300];
	v3 =	vand.u32 $0x7FFFFFFF, v3;
	v45 =	vmin.f32 v4, $1.000000000e+00;
	v48 =	vmin.f32 v2, $1.000000000e+00  }
0x79: {  	v49 =	vld [tilespmem:s0+$0x3000];
	v47 =	vmul.f32 $5.000000000e-01, v45;
	v1 =	vsub.f32 v1, v11;
	v0 =	vmul.f32 v0, v7  }
0x7a: {  	v51 =	vld [tilespmem:s0+$0x0];
	v10 =	vand.u32 $0x7FFFFFFF, v10;
	v52 =	vmin.f32 v3, $1.000000000e+00;
	v50 =	vmul.f32 $5.000000000e-01, v48  }
0x7b: {  	v4 =	vsub.f32 v4, v47;
	v1 =	vmul.f32 v1, v9;
	v0 =	vadd.f32 $0.0e+00, v0  }
0x7c: {  	v54 =	vmin.f32 v10, $1.000000000e+00;
	v53 =	vmul.f32 $5.000000000e-01, v52;
	v2 =	vsub.f32 v2, v50  }
0x7d: {  	v8 =	vsub.f32 v13, v46;
	v4 =	vmul.f32 v4, v45;
	v0 =	vadd.f32 v1, v0  }
0x7e: {  	v55 =	vmul.f32 $5.000000000e-01, v54;
	v3 =	vsub.f32 v3, v53;
	v2 =	vmul.f32 v2, v48  }
0x7f: {  	v56 =	vand.u32 $0x7FFFFFFF, v8;
	v7 =	vsub.f32 v51, v49;
	v0 =	vadd.f32 v4, v0  }
0x80: {  	v5 =	vsub.f32 v10, v55;
	v3 =	vmul.f32 v3, v52;
	v57 =	vmin.f32 v56, $1.000000000e+00  }
0x81: {  	v58 =	vmul.f32 $5.000000000e-01, v57;
	v7 =	vand.u32 $0x7FFFFFFF, v7;
	v0 =	vadd.f32 v2, v0  }
0x82: {  	v59 =	vmin.f32 v7, $1.000000000e+00;
	v1 =	vmul.f32 v5, v54  }
0x83: {  	v60 =	vmul.f32 $5.000000000e-01, v59;
	v2 =	vsub.f32 v56, v58;
	v0 =	vadd.f32 v3, v0;
	_ =	sdelay $0x1  }
0x84: {  	v62 =	vsub.f32 v7, v60;
	v61 =	vmul.f32 v2, v57;
	v0 =	vadd.f32 v1, v0;
	_ =	sdelay $0x1  }
0x85: {  	v63 =	vmul.f32 v62, v59;
	v0 =	vadd.f32 v61, v0;
	_ =	sdelay $0x1  }
0x86: {  	s31 =	sadd.s32 s6, s20;
	s19 =	sadd.s32 $0x1, s19;
	v0 =	vadd.f32 v63, v0  }
0x87: {  	p1 =	sne.s32 s19, $0x4;
	s0 =	sshrl.u32 s31, $0x3  }
.Ltmp3:
0x88: {  	s0 =	sadd.s32 s7, s0;
	[tilespmem:s21+$0x0] =	vst v0;
	(pc) =	sbr.rel @p1 .LBB2_2-.Ltmp3, $4  }
0x89: {  	[hbm4b:s0+s4] =	stream.linear.scatter [tilespmem:s16], [sflag:$0x3], $0x600, $0x38;
	[tilespmem:$0x6600] =	vst v63  }
0x8a: {  	_ =	swait.ge [sflag:s17], $0x600  }
0x8b: {  	[sflag:s17] =	ssyncset.done $0x0  }
0x8c: {  	[sflag:s17] =	ssyncadd.s32 $0xFFFFFA00  }
.Ltmp4:
0x8d: {  	(pc) =	sbr.rel @p0 .LBB2_9-.Ltmp4, $1  }
0x8e: {  	_ =	sdelay $0x3  }
0x8f: {  	s0 =	simm.s32 $0x0  }
0x90: {  	[tilespmem:s0], [sflag:$0x1] =	stream.linear.gather [hbm4b:s9+s0], $0x400, $0x38;
	[tilespmem:$0x6600] =	vst v63  }
0x91: {  	_ = 	snop  }
0x92: {  	[tilespmem:s13], [sflag:$0x2] =	stream.linear.gather [hbm4b:s10+s0], $0x400, $0x38;
	[tilespmem:$0x6600] =	vst v63  }
0x93: {  	_ =	swait.ge [sflag:s14], $0x400  }
0x94: {  	[sflag:s14] =	ssyncset.done $0x0  }
0x95: {  	[sflag:s14] =	ssyncadd.s32 $0xFFFFFC00  }
0x96: {  	_ =	swait.ge [sflag:s15], $0x400  }
0x97: {  	[sflag:s15] =	ssyncset.done $0x0  }
0x98: {  	s19 =	simm.s32 $0x0;
	[sflag:s15] =	ssyncadd.s32 $0xFFFFFC00  }
0x99: {  	v0 =	vld [tilespmem:s19+$0x380]  }
0x9a: {  	v1 =	vld [tilespmem:s19+$0x3380]  }
0x9b: {  	v2 =	vld [tilespmem:s19+$0x300]  }
0x9c: {  	v3 =	vld [tilespmem:s19+$0x3300]  }
0x9d: {  	v4 =	vld [tilespmem:s19+$0x280]  }
0x9e: {  	v5 =	vld [tilespmem:s19+$0x3280]  }
0x9f: {  	v6 =	vld [tilespmem:s19+$0x200]  }
0xa0: {  	v7 =	vld [tilespmem:s19+$0x180]  }
0xa1: {  	v8 =	vld [tilespmem:s19+$0x3180]  }
0xa2: {  	v9 =	vld [tilespmem:s19+$0x0]  }
0xa3: {  	v10 =	vld [tilespmem:s19+$0x3000]  }
0xa4: {  	v11 =	vld [tilespmem:s19+$0x80]  }
0xa5: {  	v12 =	vld [tilespmem:s19+$0x3080]  }
0xa6: {  	v13 =	vld [tilespmem:s19+$0x100]  }
0xa7: {  	v14 =	vld [tilespmem:s19+$0x3100]  }
0xa8: {  	v15 =	vld [tilespmem:s19+$0x3200];
	v9 =	vsub.f32 v9, v10  }
0xa9: {  	v24 =	vsub.f32 v0, v1  }
0xaa: {  	s20 =	simm.s32 $0x10;
	v4 =	vsub.f32 v4, v5;
	v0 =	vsub.f32 v11, v12;
	v5 =	vand.u32 $0x7FFFFFFF, v9  }
0xab: {  	v18 =	vsub.f32 v2, v3;
	v2 =	vsub.f32 v7, v8;
	v1 =	vld [tilespmem:s20+$0x380];
	v7 =	vmin.f32 v5, $1.000000000e+00  }
0xac: {  	v3 =	vld [tilespmem:s20+$0x3380];
	v10 =	vsub.f32 v13, v14;
	v9 =	vand.u32 $0x7FFFFFFF, v0;
	v8 =	vmul.f32 $5.000000000e-01, v7  }
0xad: {  	v6 =	vsub.f32 v6, v15;
	v11 =	vld [tilespmem:s20+$0x3280];
	v20 =	vand.u32 $0x7FFFFFFF, v2;
	v12 =	vmin.f32 v9, $1.000000000e+00  }
0xae: {  	v0 =	vld [tilespmem:s20+$0x300];
	v19 =	vand.u32 $0x7FFFFFFF, v10;
	v13 =	vmul.f32 $5.000000000e-01, v12;
	v5 =	vsub.f32 v5, v8  }
0xaf: {  	v2 =	vld [tilespmem:s20+$0x3300];
	v14 =	vand.u32 $0x7FFFFFFF, v6;
	v22 =	vmin.f32 v19, $1.000000000e+00;
	v15 =	vmin.f32 v20, $1.000000000e+00  }
0xb0: {  	v10 =	vld [tilespmem:s20+$0x3200];
	v6 =	vsub.f32 v9, v13;
	v5 =	vmul.f32 v5, v7;
	v7 =	vmul.f32 $5.000000000e-01, v22  }
0xb1: {  	v17 =	vand.u32 $0x7FFFFFFF, v4;
	v16 =	vmin.f32 v14, $1.000000000e+00;
	v23 =	vmul.f32 $5.000000000e-01, v15;
	v8 =	vld [tilespmem:s20+$0x280]  }
0xb2: {  	v9 =	vld [tilespmem:s20+$0x200];
	v6 =	vmul.f32 v6, v12;
	v21 =	vadd.f32 $0.0e+00, v5;
	v7 =	vsub.f32 v19, v7  }
0xb3: {  	v4 =	vmin.f32 v17, $1.000000000e+00;
	v13 =	vld [tilespmem:s20+$0x3180];
	v23 =	vsub.f32 v20, v23;
	v19 =	vmul.f32 $5.000000000e-01, v16  }
0xb4: {  	v12 =	vld [tilespmem:s20+$0x180];
	v5 =	vand.u32 $0x7FFFFFFF, v18;
	v21 =	vadd.f32 v6, v21;
	v22 =	vmul.f32 v7, v22  }
0xb5: {  	s21 =	simm.s32 $0x80;
	v20 =	vmul.f32 $5.000000000e-01, v4;
	v18 =	vld [tilespmem:s20+$0x0];
	v6 =	vmin.f32 v5, $1.000000000e+00;
	v7 =	vand.u32 $0x7FFFFFFF, v24  }
.LBB2_7:
0xb6: {  	p1 =	sne.s32 s21, $0x1C0;
	v24 =	vld [tilespmem:s20+$0x3000];
	v21 =	vadd.f32 v22, v21;
	v15 =	vmul.f32 v23, v15;
	v14 =	vsub.f32 v14, v19  }
0xb7: {  	v25 =	vsub.f32 v1, v3;
	v1 =	vmul.f32 $5.000000000e-01, v6;
	v3 =	vmin.f32 v7, $1.000000000e+00;
	v19 =	vld [tilespmem:s20+$0x80]  }
0xb8: {  	v22 =	vld [tilespmem:s20+$0x3080];
	v15 =	vadd.f32 v15, v21;
	v14 =	vmul.f32 v14, v16;
	v16 =	vsub.f32 v17, v20  }
0xb9: {  	v20 =	vsub.f32 v8, v11;
	v21 =	vsub.f32 v0, v2;
	v0 =	vmul.f32 $5.000000000e-01, v3;
	v17 =	vld [tilespmem:s20+$0x100]  }
0xba: {  	v1 =	vsub.f32 v5, v1;
	v2 =	vld [tilespmem:s20+$0x3100];
	v8 =	vadd.f32 v14, v15;
	v4 =	vmul.f32 v16, v4  }
0xbb: {  	v9 =	vsub.f32 v9, v10;
	v5 =	vsub.f32 v18, v24  }
0xbc: {  	v6 =	vmul.f32 v1, v6;
	v0 =	vsub.f32 v7, v0;
	v4 =	vadd.f32 v4, v8  }
0xbd: {  	s0 =	sshra.s32 s21, $0x2;
	v8 =	vsub.f32 v12, v13;
	v5 =	vand.u32 $0x7FFFFFFF, v5;
	v7 =	vsub.f32 v19, v22  }
0xbe: {  	v1 =	vld [tilespmem:s0+$0x380];
	v10 =	vmin.f32 v5, $1.000000000e+00;
	v4 =	vadd.f32 v6, v4;
	v6 =	vmul.f32 v0, v3  }
0xbf: {  	v3 =	vld [tilespmem:s0+$0x3380];
	v11 =	vmul.f32 $5.000000000e-01, v10;
	v7 =	vand.u32 $0x7FFFFFFF, v7;
	v12 =	vsub.f32 v17, v2  }
0xc0: {  	v18 =	vand.u32 $0x7FFFFFFF, v8;
	v0 =	vld [tilespmem:s0+$0x300];
	v13 =	vmin.f32 v7, $1.000000000e+00;
	v4 =	vadd.f32 v6, v4  }
0xc1: {  	v2 =	vld [tilespmem:s0+$0x3300];
	v5 =	vsub.f32 v5, v11;
	v6 =	vmul.f32 $5.000000000e-01, v13;
	v12 =	vand.u32 $0x7FFFFFFF, v12  }
0xc2: {  	v14 =	vand.u32 $0x7FFFFFFF, v9;
	v15 =	vmin.f32 v18, $1.000000000e+00;
	v8 =	vld [tilespmem:s0+$0x280];
	v22 =	vmin.f32 v12, $1.000000000e+00;
	[tilespmem:s19+$0x6000] =	vst v4;
	s19 =	smov.u32 s20;
	s20 =	smov.u32 s0  }
0xc3: {  	v11 =	vld [tilespmem:s20+$0x3280];
	v4 =	vmul.f32 v5, v10;
	v5 =	vsub.f32 v7, v6;
	v6 =	vmul.f32 $5.000000000e-01, v22  }
.Ltmp5:
0xc4: {  	v16 =	vmin.f32 v14, $1.000000000e+00;
	v17 =	vand.u32 $0x7FFFFFFF, v20;
	v7 =	vmul.f32 $5.000000000e-01, v15;
	v9 =	vld [tilespmem:s20+$0x200];
	(pc) =	sbr.rel @p1 .LBB2_7-.Ltmp5, $4  }
0xc5: {  	v10 =	vld [tilespmem:s20+$0x3200];
	v20 =	vadd.f32 $0.0e+00, v4;
	v23 =	vmul.f32 v5, v13;
	v6 =	vsub.f32 v12, v6  }
0xc6: {  	v19 =	vmul.f32 $5.000000000e-01, v16;
	v4 =	vmin.f32 v17, $1.000000000e+00;
	v5 =	vand.u32 $0x7FFFFFFF, v21;
	v12 =	vld [tilespmem:s20+$0x180]  }
0xc7: {  	v13 =	vld [tilespmem:s20+$0x3180];
	v21 =	vadd.f32 v23, v20;
	v22 =	vmul.f32 v6, v22;
	v23 =	vsub.f32 v18, v7  }
0xc8: {  	s21 =	sadd.s32 $0x40, s21;
	v20 =	vmul.f32 $5.000000000e-01, v4;
	v6 =	vmin.f32 v5, $1.000000000e+00;
	v7 =	vand.u32 $0x7FFFFFFF, v25;
	v18 =	vld [tilespmem:s20+$0x0]  }
0xc9: {  	v24 =	vld [tilespmem:s20+$0x3000]  }
0xca: {  	v25 =	vld [tilespmem:s20+$0x80]  }
0xcb: {  	v30 =	vld [tilespmem:s20+$0x3080]  }
0xcc: {  	v21 =	vadd.f32 v22, v21;
	v15 =	vmul.f32 v23, v15;
	v31 =	vld [tilespmem:s20+$0x100]  }
0xcd: {  	v14 =	vsub.f32 v14, v19;
	v1 =	vsub.f32 v1, v3;
	v33 =	vld [tilespmem:s20+$0x3100];
	v34 =	vmul.f32 $5.000000000e-01, v6  }
0xce: {  	v35 =	vmin.f32 v7, $1.000000000e+00;
	v8 =	vsub.f32 v8, v11;
	v18 =	vsub.f32 v18, v24  }
0xcf: {  	v0 =	vsub.f32 v0, v2;
	v36 =	vsub.f32 v17, v20;
	v39 =	vmul.f32 $5.000000000e-01, v35  }
0xd0: {  	v9 =	vsub.f32 v9, v10;
	v38 =	vsub.f32 v25, v30;
	v37 =	vand.u32 $0x7FFFFFFF, v18  }
0xd1: {  	v32 =	vadd.f32 v15, v21;
	v12 =	vsub.f32 v12, v13;
	v40 =	vmin.f32 v37, $1.000000000e+00  }
0xd2: {  	v15 =	vsub.f32 v31, v33;
	v11 =	vand.u32 $0x7FFFFFFF, v38;
	v41 =	vmul.f32 $5.000000000e-01, v40  }
0xd3: {  	v14 =	vmul.f32 v14, v16;
	v12 =	vand.u32 $0x7FFFFFFF, v12;
	v42 =	vmin.f32 v11, $1.000000000e+00  }
0xd4: {  	v15 =	vand.u32 $0x7FFFFFFF, v15;
	v43 =	vmul.f32 $5.000000000e-01, v42;
	v2 =	vsub.f32 v37, v41  }
0xd5: {  	v9 =	vand.u32 $0x7FFFFFFF, v9;
	v45 =	vmin.f32 v12, $1.000000000e+00;
	v44 =	vmin.f32 v15, $1.000000000e+00  }
0xd6: {  	v46 =	vmul.f32 $5.000000000e-01, v44;
	v11 =	vsub.f32 v11, v43;
	v2 =	vmul.f32 v2, v40  }
0xd7: {  	v8 =	vand.u32 $0x7FFFFFFF, v8;
	v48 =	vmin.f32 v9, $1.000000000e+00;
	v47 =	vmul.f32 $5.000000000e-01, v45  }
0xd8: {  	v49 =	vsub.f32 v15, v46;
	v10 =	vmul.f32 v11, v42;
	v2 =	vadd.f32 $0.0e+00, v2  }
0xd9: {  	v0 =	vand.u32 $0x7FFFFFFF, v0;
	v51 =	vmin.f32 v8, $1.000000000e+00;
	v50 =	vmul.f32 $5.000000000e-01, v48  }
0xda: {  	v53 =	vsub.f32 v12, v47;
	v52 =	vmul.f32 v49, v44;
	v2 =	vadd.f32 v10, v2  }
0xdb: {  	v1 =	vand.u32 $0x7FFFFFFF, v1;
	v55 =	vmin.f32 v0, $1.000000000e+00;
	v54 =	vmul.f32 $5.000000000e-01, v51  }
0xdc: {  	v9 =	vsub.f32 v9, v50;
	v56 =	vmul.f32 v53, v45;
	v2 =	vadd.f32 v52, v2  }
0xdd: {  	v5 =	vsub.f32 v5, v34;
	v58 =	vmin.f32 v1, $1.000000000e+00;
	v57 =	vmul.f32 $5.000000000e-01, v55  }
0xde: {  	v8 =	vsub.f32 v8, v54;
	v9 =	vmul.f32 v9, v48;
	v2 =	vadd.f32 v56, v2  }
0xdf: {  	v4 =	vmul.f32 v36, v4;
	v3 =	vadd.f32 v14, v32;
	v59 =	vmul.f32 $5.000000000e-01, v58  }
0xe0: {  	v0 =	vsub.f32 v0, v57;
	v8 =	vmul.f32 v8, v51;
	v2 =	vadd.f32 v9, v2  }
0xe1: {  	v61 =	vsub.f32 v7, v39;
	v60 =	vmul.f32 v5, v6;
	v3 =	vadd.f32 v4, v3  }
0xe2: {  	v1 =	vsub.f32 v1, v59;
	v0 =	vmul.f32 v0, v55;
	v2 =	vadd.f32 v8, v2  }
0xe3: {  	v62 =	vmul.f32 v61, v35;
	v3 =	vadd.f32 v60, v3  }
0xe4: {  	v1 =	vmul.f32 v1, v58;
	v0 =	vadd.f32 v0, v2  }
0xe5: {  	v63 =	vadd.f32 v62, v3  }
0xe6: {  	v0 =	vadd.f32 v1, v0  }
0xe7: {  	[tilespmem:s19+$0x6000] =	vst v63  }
.Ltmp6:
0xe8: {  	[tilespmem:s20+$0x6000] =	vst v0;
	(pc) =	sbr.rel .LBB2_9-.Ltmp6, $4  }
0xe9: {  	[hbm4b:s11+s4] =	stream.linear.scatter [tilespmem:s16], [sflag:$0x3], $0x80, $0x38;
	[tilespmem:$0x6600] =	vst v63  }
0xea: {  	_ =	swait.ge [sflag:s17], $0x80  }
0xeb: {  	[sflag:s17] =	ssyncset.done $0x0  }
0xec: {  	[sflag:s17] =	ssyncadd.s32 $0xFFFFFF80  }
.LBB2_10:
0xed: {  	_ =	sfence.sel $0x180000  }
0xee: {  	[bflag:$0x0] =	sbarrier.arrive $0xFFFF  }
0xef: {  	_ =	strace $0x90000047  }
0xf0: {  	[bflag:$0x2] =	sbarrier.arrive $0xFFFF  }
0xf1: {  	p0 =	sne.s32 s1, $0x0;
	s0 =	rddreg [dreg:$0x3]  }
0xf2: {  	s0 =	sadd.s32 @!p0 $0x100000, s0  }
0xf3: {  	[sflag:s0] =	ssyncadd.tile.s32 @!p0 $0x1;
	_ =	shalt  }
.Lfunc_end2:
_tile_overlayer_lowered:
.L_overlay_start_2:
0xf4: {  	(tag) =	ssettag $0x2  }
0xf5: {  	s0 =	rddreg [dreg:$0x0];
	s2 =	stileid.u32  }
0xf6: {  	s1 =	rddreg [dreg:$0x1];
	p0 =	sne.s32 s2, $0x0  }
0xf7: {  	s3 =	rddreg [dreg:$0x2];
	[bflag:$0x3] =	sbarrier.arrive $0xFFFF;
	s2 =	simm.s32 @!p0 $0x1C03  }
0xf8: {  	[timem:s3], [sflag:s2] =	dma.local @!p0 [hbm:s0], s1  }
0xf9: {  	s0 =	simm.s32 @!p0 $0x3  }
0xfa: {  	_ =	swait.ge @!p0 [sflag:s0], s1  }
0xfb: {  	s1 =	ssub.s32 @!p0 $0x0, s1;
	[sflag:s0] =	ssyncset.done @!p0 $0x0  }
0xfc: {  	[sflag:s0] =	ssyncadd.s32 @!p0 s1  }
0xfd: {  	[bflag:$0x3] =	sbarrier.arrive $0xFFFF  }
0xfe: {  	_ =	shalt  }

</sc_bundles>
